<compile_context>
chip_gen: v7x
topology: tpu7x:2x2x1
jax: 0.10.2.dev20260603
libtpu: 0.0.44.dev20260713+nightly
codegen_flags: <defaults>
</compile_context>

<pallas_src>
import functools

import jax
import jax.numpy as jnp
from jax import lax
from jax.experimental import pallas as pl
from jax.experimental.pallas import tpu as pltpu
from jax.experimental.pallas import tpu_sc as plsc

EOS_COEF = 0.1
_NC, _NS, _L = 2, 16, 16
_LN2 = 0.6931471805599453
_LOG2_COEFS = (0.014598640230194459, -0.07592081220121791,
               0.18865228319232435, -0.3214829482084632,
               0.47172152680207385, -0.7202025944414882,
               1.4426336790038374, 8.121171884499682e-07)


def _dense_body(*refs):
    acc_ref = refs[-1]

    @pl.when(pl.program_id(0) == 0)
    def _init():
        acc_ref[0, 0] = 0.0

    acc = 0.0
    for logits_ref in refs[:-1]:
        c1 = logits_ref.shape[2]
        x = logits_ref[...]
        m = jnp.max(x, axis=-1, keepdims=True)
        se = jnp.sum(jnp.exp(x - m), axis=-1, keepdims=True)
        lse = jnp.log(se) + m
        acc += jnp.sum(lse - x[:, :, c1 - 1:c1])
    acc_ref[0, 0] += acc


def _vi(v):
    return jnp.full((_L,), v, jnp.int32)


def _vf(v):
    return jnp.full((_L,), v, jnp.float32)


def _vlog(s):
    bits = plsc.bitcast(s, jnp.int32)
    e = (bits >> _vi(23)) - _vi(127)
    mant = plsc.bitcast((bits & _vi(0x007FFFFF)) | _vi(0x3F800000),
                        jnp.float32)
    t = mant - _vf(1.0)
    p = _vf(_LOG2_COEFS[0])
    for c in _LOG2_COEFS[1:]:
        p = p * t + _vf(c)
    return (e.astype(jnp.float32) + p) * _vf(_LN2)


def _img_of(rows, s, ipw):
    acc = jnp.zeros((_L,), jnp.int32)
    for t in range(1, ipw):
        acc += jnp.where(rows >= _vi(t * s), _vi(1), _vi(0))
    return acc


def _matched_body(s, s_pad, num_classes, rpw, logits_hbm, boxes_hbm, tgt_hbm,
                  sizes_hbm, out_hbm, xbuf, pbuf, tbuf, sbuf, obuf):
    c1 = num_classes + 1
    wid = lax.axis_index("s") * _NC + lax.axis_index("c")
    ipw = rpw // s
    b0 = wid * ipw

    for j in range(ipw):
        pltpu.sync_copy(logits_hbm.at[b0 + j, pl.ds(0, s_pad)],
                        xbuf.at[pl.ds(j * s_pad, s_pad)])
        pltpu.sync_copy(boxes_hbm.at[b0 + j, pl.ds(0, s_pad)],
                        pbuf.at[pl.ds(j * s_pad, s_pad)])
    pltpu.sync_copy(tgt_hbm.at[pl.ds(wid * rpw, rpw)], tbuf)
    pltpu.sync_copy(sizes_hbm, sbuf)

    lv = lax.iota(jnp.int32, _L)
    corr = jnp.zeros((_L,), jnp.float32)
    wsum = jnp.zeros((_L,), jnp.float32)
    correct = jnp.zeros((_L,), jnp.float32)

    zf = jnp.zeros((_L,), jnp.float32)
    for row0 in range(0, rpw, _L):
        nv = min(_L, rpw - row0)
        ok = lv < _vi(nv)
        rows = jnp.where(ok, _vi(row0) + lv, _vi(0))
        rx = rows + _vi(s_pad - s) * _img_of(rows, s, ipw)

        def _p1(c, carry):
            m, am = carry
            vc = jnp.full((_L,), c, jnp.int32)
            v = plsc.load_gather(xbuf, [rx, vc])
            gt = v > m
            return jnp.maximum(m, v), jnp.where(gt, vc, am)

        m, am = lax.fori_loop(0, c1, _p1, (_vf(-jnp.inf), _vi(c1)))

        def _p2(c, se):
            v = plsc.load_gather(xbuf, [rx, jnp.full((_L,), c, jnp.int32)])
            return se + jnp.exp(v - m)

        se = lax.fori_loop(0, c1, _p2, zf)
        lse = _vlog(se) + m

        tci = plsc.load_gather(tbuf, [rows, _vi(4)]).astype(jnp.int32)
        x_tc = plsc.load_gather(xbuf, [rx, tci])
        x_last = plsc.load_gather(xbuf, [rx, _vi(c1 - 1)])
        w = jnp.where(tci == _vi(num_classes), _vf(EOS_COEF), _vf(1.0))
        contrib = w * (lse - x_tc) - _vf(EOS_COEF) * (lse - x_last)
        corr += jnp.where(ok, contrib, zf)
        wsum += jnp.where(ok, w, zf)
        correct += jnp.where(ok & (am == tci), _vf(1.0), zf)

    l1 = jnp.zeros((_L,), jnp.float32)
    for k in range(rpw * 4 // _L):
        e = _vi(k * _L) + lv
        r4 = e >> _vi(2)
        c4 = e & _vi(3)
        rp = r4 + _vi(s_pad - s) * _img_of(r4, s, ipw)
        pv = plsc.load_gather(pbuf, [rp, c4])
        tv = plsc.load_gather(tbuf, [r4, c4])
        l1 += jnp.abs(pv - tv)

    obuf[0] = corr
    obuf[1] = wsum
    obuf[2] = correct
    obuf[3] = l1
    obuf[4] = jnp.zeros((_L,), jnp.float32)
    obuf[5] = jnp.zeros((_L,), jnp.float32)
    obuf[6] = jnp.zeros((_L,), jnp.float32)
    obuf[7] = jnp.zeros((_L,), jnp.float32)

    @pl.when(wid == 0)
    def _nbox():
        acc = jnp.zeros((_L,), jnp.float32)
        for k in range(sizes_hbm.shape[0] // _L):
            acc += sbuf[pl.ds(k * _L, _L)].astype(jnp.float32)
        obuf[4] = acc

    pltpu.sync_copy(obuf, out_hbm.at[wid])


@jax.jit
def kernel(class_logits, pred_boxes, targets, sizes):
    b, q, c1 = class_logits.shape
    num_classes = c1 - 1
    s = targets.shape[0] // b
    nw = _NC * _NS
    rpw = b * s // nw
    s_pad = ((s + 7) // 8) * 8
    ipw = rpw // s

    mesh = plsc.VectorSubcoreMesh(core_axis_name="c", subcore_axis_name="s")
    sc = pl.kernel(
        functools.partial(_matched_body, s, s_pad, num_classes, rpw),
        mesh=mesh,
        out_type=jax.ShapeDtypeStruct((nw, 8, _L), jnp.float32),
        scratch_types=[
            pltpu.VMEM((ipw * s_pad, c1), jnp.float32),
            pltpu.VMEM((ipw * s_pad, 4), jnp.float32),
            pltpu.VMEM((rpw, 5), jnp.float32),
            pltpu.VMEM((b,), jnp.int32),
            pltpu.VMEM((8, _L), jnp.float32),
        ],
        compiler_params=pltpu.CompilerParams(needs_layout_passes=False),
    )
    parts = sc(class_logits, pred_boxes, targets, sizes)

    nb = 8
    dense = pl.pallas_call(
        _dense_body,
        grid=(b // nb,),
        in_specs=[pl.BlockSpec((nb, q, c1), lambda i: (i, 0, 0))],
        out_specs=pl.BlockSpec(memory_space=pltpu.SMEM),
        out_shape=jax.ShapeDtypeStruct((1, 1), jnp.float32),
    )(class_logits)[0, 0]

    psum = jnp.sum(parts, axis=(0, 2))
    corr, wsum_m, correct, l1, nbox = (psum[0], psum[1], psum[2], psum[3],
                                       psum[4])
    wnll = EOS_COEF * dense + corr
    sum_w = EOS_COEF * (b * (q - s)) + wsum_m
    loss_ce = wnll / sum_w
    class_error = 100.0 - correct * (100.0 / (b * s))
    loss_bbox = l1 / jnp.maximum(nbox, 1.0)
    return loss_ce, class_error, loss_bbox

# --- scband reference (transcript-rebuilt; emitter-appended) ---
"""Pipeline reference for scband-detr-loss-24369644438190 (READ-ONLY COPY).

The authoritative reference and input builder live on the scoring server;
editing this copy changes nothing except your own understanding.
"""

import jax, jax.numpy as jnp
import numpy as np

B = 64
Q = 300
NUM_CLASSES = 91
S = 20  # targets per image (fixed for deterministic matcher)
NT = B * S
EOS_COEF = 0.1


def setup_inputs(seed: int = 0) -> dict:
    key = jax.random.key(seed)
    k1, k2, k3, k4 = jax.random.split(key, 4)
    class_logits = jax.random.normal(k1, (B, Q, NUM_CLASSES + 1), dtype=jnp.float32)
    pred_boxes = jax.random.uniform(k2, (B, Q, 4), dtype=jnp.float32)
    tgt_boxes = jax.random.uniform(k3, (NT, 4), dtype=jnp.float32)
    tgt_cls = jax.random.randint(k4, (NT,), 0, NUM_CLASSES).astype(jnp.float32)
    targets = jnp.concatenate([tgt_boxes, tgt_cls[:, None]], axis=1)  # [NT, 5]
    sizes = jnp.full((B,), S, dtype=jnp.int32)
    return {"class_logits": class_logits, "pred_boxes": pred_boxes, "targets": targets, "sizes": sizes}


def _matcher(b, s):
    # Deterministic matcher (stand-in for Hungarian): for image i, query j <- global target i*s+j.
    # Produces the same index structure the torch module consumes:
    # src indices are per-image query ids, tgt indices are GLOBAL rows into the flat targets tensor
    # (matching how the original code indexes targets[i, :] with the tgt index tensor).
    batch_idx = jnp.repeat(jnp.arange(b), s)          # [b*s]
    src_idx = jnp.tile(jnp.arange(s), b)              # [b*s]
    tgt_idx = jnp.arange(b * s)                       # [b*s] global rows of targets
    return batch_idx, src_idx, tgt_idx


def reference(class_logits, pred_boxes, targets, sizes):
    num_classes = class_logits.shape[-1] - 1
    b, q = class_logits.shape[0], class_logits.shape[1]
    s = targets.shape[0] // b
    batch_idx, src_idx, tgt_idx = _matcher(b, s)

    num_boxes = jnp.maximum(jnp.sum(sizes).astype(jnp.float32), 1.0)
    empty_weight = jnp.ones((num_classes + 1,), dtype=jnp.float32).at[-1].set(EOS_COEF)

    # ---- loss_labels ----
    target_classes_o = targets[tgt_idx, 4].astype(jnp.int32)  # gather matched target classes
    target_classes = jnp.full((b, q), num_classes, dtype=jnp.int32)
    target_classes = target_classes.at[batch_idx, src_idx].set(target_classes_o)  # scatter-overwrite
    logp = jax.nn.log_softmax(class_logits, axis=-1)
    nll = -jnp.take_along_axis(logp, target_classes[..., None], axis=-1)[..., 0]  # [b, q]
    w = empty_weight[target_classes]  # [b, q] class weights (gather)
    loss_ce = jnp.sum(w * nll) / jnp.sum(w)  # weighted-mean, matches F.cross_entropy(weight=...)

    # class_error = 100 - top1 accuracy on matched queries (non-differentiable metric)
    src_logits_matched = class_logits[batch_idx, src_idx]  # [b*s, C+1]
    pred_top1 = jnp.argmax(src_logits_matched, axis=-1)
    acc = jnp.sum((pred_top1 == target_classes_o).astype(jnp.float32)) * 100.0 / target_classes_o.shape[0]
    class_error = 100.0 - acc

    # ---- loss_boxes ----
    src_boxes = pred_boxes[batch_idx, src_idx]  # gather [b*s, 4]
    tb = targets[tgt_idx]                       # gather [b*s, 5]
    target_boxes = jnp.concatenate([tb[:, 0:4], tb[:, 5:]], axis=1)  # drop class column -> [b*s, 4]
    loss_bbox = jnp.sum(jnp.abs(src_boxes - target_boxes)) / num_boxes  # L1, sum-reduced

    return loss_ce, class_error, loss_bbox

if __name__ == "__main__":
    import jax
    _d = setup_inputs()
    print(jax.jit(kernel)(*tuple(_d.values())))

</pallas_src>

<mosaic_0001>
#map = affine_map<(d0, d1) -> (0, 0, 0)>
#map1 = affine_map<(d0, d1) -> (0, 0)>
#map2 = affine_map<(d0, d1) -> (0)>
module attributes {stable_mosaic.version = 14 : i64} {
  func.func @_matched_body(%arg0: i32, %arg1: i32, %arg2: memref<64x300x92xf32, #tpu.memory_space<hbm>>, %arg3: memref<64x300x4xf32, #tpu.memory_space<hbm>>, %arg4: memref<1280x5xf32, #tpu.memory_space<hbm>>, %arg5: memref<64xi32, #tpu.memory_space<hbm>>, %arg6: memref<32x8x16xf32, #tpu.memory_space<hbm>>, %arg7: memref<48x92xf32, #tpu.memory_space<vmem>>, %arg8: memref<48x4xf32, #tpu.memory_space<vmem>>, %arg9: memref<40x5xf32, #tpu.memory_space<vmem>>, %arg10: memref<64xi32, #tpu.memory_space<vmem>>, %arg11: memref<8x16xf32, #tpu.memory_space<vmem>>) attributes {dimension_semantics = [#tpu.dimension_semantics<core_parallel>, #tpu.dimension_semantics<subcore_parallel>], iteration_bounds = array<i64: 2, 16>, scalar_prefetch = 0 : i64, scratch_operands = 5 : i64, tpu.core_type = #tpu.core_type<sc_vector_subcore>, window_params = [{transform_indices = #map}, {transform_indices = #map}, {transform_indices = #map1}, {transform_indices = #map2}, {transform_indices = #map}]} {
    %mul3A = arith.constant 2 : i32
    %mul3A_0 = arith.muli %arg1, %mul3A : i32
    %add3A = arith.addi %mul3A_0, %arg0 : i32
    %mul3A_1 = arith.constant 2 : i32
    %mul3A_2 = arith.muli %add3A, %mul3A_1 : i32
    %add3A_3 = arith.constant 0 : i32
    %add3A_4 = arith.addi %mul3A_2, %add3A_3 : i32
    "tpu.region"() ({
      %run_scoped3A = tpu.sem_alloc : memref<!tpu.dma_semaphore, #tpu.memory_space<semaphore_mem>>
      %dma_start3A = arith.constant 0 : i32
      %dma_start3A_720 = arith.constant 0 : i32
      %dma_start3A_721 = tpu.memref_slice %arg7[%dma_start3A, %dma_start3A_720] : memref<48x92xf32, #tpu.memory_space<vmem>> -> memref<24x92xf32, #tpu.memory_space<vmem>>
      %dma_start3A_722 = arith.constant 0 : i32
      %dma_start3A_723 = arith.constant 0 : i32
      %dma_start3A_724 = tpu.memref_slice %arg2[%add3A_4, %dma_start3A_722, %dma_start3A_723] : memref<64x300x92xf32, #tpu.memory_space<hbm>> -> memref<1x24x92xf32, #tpu.memory_space<hbm>>
      %dma_start3A_725 = tpu.memref_squeeze %dma_start3A_724 : memref<1x24x92xf32, #tpu.memory_space<hbm>> -> memref<24x92xf32, #tpu.memory_space<hbm>>
      %dma_start3A_726 = arith.constant 0 : i32
      %dma_start3A_727 = arith.constant 0 : i32
      %dma_start3A_728 = tpu.memref_slice %arg7[%dma_start3A_726, %dma_start3A_727] : memref<48x92xf32, #tpu.memory_space<vmem>> -> memref<24x92xf32, #tpu.memory_space<vmem>>
      %dma_start3A_729 = arith.constant 0 : i32
      %dma_start3A_730 = arith.constant 0 : i32
      %dma_start3A_731 = tpu.memref_slice %arg2[%add3A_4, %dma_start3A_729, %dma_start3A_730] : memref<64x300x92xf32, #tpu.memory_space<hbm>> -> memref<1x24x92xf32, #tpu.memory_space<hbm>>
      %dma_start3A_732 = tpu.memref_squeeze %dma_start3A_731 : memref<1x24x92xf32, #tpu.memory_space<hbm>> -> memref<24x92xf32, #tpu.memory_space<hbm>>
      tpu.enqueue_dma source(%dma_start3A_732 : memref<24x92xf32, #tpu.memory_space<hbm>>) target(%dma_start3A_728 : memref<24x92xf32, #tpu.memory_space<vmem>>) target_semaphore(%run_scoped3A : memref<!tpu.dma_semaphore, #tpu.memory_space<semaphore_mem>>)
      %dma_wait3A = arith.constant 0 : i32
      %dma_wait3A_733 = arith.constant 0 : i32
      %dma_wait3A_734 = tpu.memref_slice %arg7[%dma_wait3A, %dma_wait3A_733] : memref<48x92xf32, #tpu.memory_space<vmem>> -> memref<24x92xf32, #tpu.memory_space<vmem>>
      %dma_wait3A_735 = arith.constant 0 : i32
      %dma_wait3A_736 = arith.constant 0 : i32
      %dma_wait3A_737 = tpu.memref_slice %arg2[%add3A_4, %dma_wait3A_735, %dma_wait3A_736] : memref<64x300x92xf32, #tpu.memory_space<hbm>> -> memref<1x24x92xf32, #tpu.memory_space<hbm>>
      %dma_wait3A_738 = tpu.memref_squeeze %dma_wait3A_737 : memref<1x24x92xf32, #tpu.memory_space<hbm>> -> memref<24x92xf32, #tpu.memory_space<hbm>>
      %dma_wait3A_739 = arith.constant 0 : i32
      %dma_wait3A_740 = arith.constant 0 : i32
      %dma_wait3A_741 = tpu.memref_slice %arg7[%dma_wait3A_739, %dma_wait3A_740] : memref<48x92xf32, #tpu.memory_space<vmem>> -> memref<24x92xf32, #tpu.memory_space<vmem>>
      %dma_wait3A_742 = arith.constant 0 : i32
      %dma_wait3A_743 = arith.constant 0 : i32
      %dma_wait3A_744 = tpu.memref_slice %arg2[%add3A_4, %dma_wait3A_742, %dma_wait3A_743] : memref<64x300x92xf32, #tpu.memory_space<hbm>> -> memref<1x24x92xf32, #tpu.memory_space<hbm>>
      %dma_wait3A_745 = tpu.memref_squeeze %dma_wait3A_744 : memref<1x24x92xf32, #tpu.memory_space<hbm>> -> memref<24x92xf32, #tpu.memory_space<hbm>>
      tpu.wait_dma2 semaphore(%run_scoped3A : memref<!tpu.dma_semaphore, #tpu.memory_space<semaphore_mem>>) src(%dma_wait3A_745 : memref<24x92xf32, #tpu.memory_space<hbm>>) dst(%dma_wait3A_741 : memref<24x92xf32, #tpu.memory_space<vmem>>)
      tpu.yield
    }) : () -> ()
    %add3A_5 = arith.constant 0 : i32
    %add3A_6 = arith.addi %mul3A_2, %add3A_5 : i32
    "tpu.region"() ({
      %run_scoped3A = tpu.sem_alloc : memref<!tpu.dma_semaphore, #tpu.memory_space<semaphore_mem>>
      %dma_start3A = arith.constant 0 : i32
      %dma_start3A_720 = arith.constant 0 : i32
      %dma_start3A_721 = tpu.memref_slice %arg8[%dma_start3A, %dma_start3A_720] : memref<48x4xf32, #tpu.memory_space<vmem>> -> memref<24x4xf32, #tpu.memory_space<vmem>>
      %dma_start3A_722 = arith.constant 0 : i32
      %dma_start3A_723 = arith.constant 0 : i32
      %dma_start3A_724 = tpu.memref_slice %arg3[%add3A_6, %dma_start3A_722, %dma_start3A_723] : memref<64x300x4xf32, #tpu.memory_space<hbm>> -> memref<1x24x4xf32, #tpu.memory_space<hbm>>
      %dma_start3A_725 = tpu.memref_squeeze %dma_start3A_724 : memref<1x24x4xf32, #tpu.memory_space<hbm>> -> memref<24x4xf32, #tpu.memory_space<hbm>>
      %dma_start3A_726 = arith.constant 0 : i32
      %dma_start3A_727 = arith.constant 0 : i32
      %dma_start3A_728 = tpu.memref_slice %arg8[%dma_start3A_726, %dma_start3A_727] : memref<48x4xf32, #tpu.memory_space<vmem>> -> memref<24x4xf32, #tpu.memory_space<vmem>>
      %dma_start3A_729 = arith.constant 0 : i32
      %dma_start3A_730 = arith.constant 0 : i32
      %dma_start3A_731 = tpu.memref_slice %arg3[%add3A_6, %dma_start3A_729, %dma_start3A_730] : memref<64x300x4xf32, #tpu.memory_space<hbm>> -> memref<1x24x4xf32, #tpu.memory_space<hbm>>
      %dma_start3A_732 = tpu.memref_squeeze %dma_start3A_731 : memref<1x24x4xf32, #tpu.memory_space<hbm>> -> memref<24x4xf32, #tpu.memory_space<hbm>>
      tpu.enqueue_dma source(%dma_start3A_732 : memref<24x4xf32, #tpu.memory_space<hbm>>) target(%dma_start3A_728 : memref<24x4xf32, #tpu.memory_space<vmem>>) target_semaphore(%run_scoped3A : memref<!tpu.dma_semaphore, #tpu.memory_space<semaphore_mem>>)
      %dma_wait3A = arith.constant 0 : i32
      %dma_wait3A_733 = arith.constant 0 : i32
      %dma_wait3A_734 = tpu.memref_slice %arg8[%dma_wait3A, %dma_wait3A_733] : memref<48x4xf32, #tpu.memory_space<vmem>> -> memref<24x4xf32, #tpu.memory_space<vmem>>
      %dma_wait3A_735 = arith.constant 0 : i32
      %dma_wait3A_736 = arith.constant 0 : i32
      %dma_wait3A_737 = tpu.memref_slice %arg3[%add3A_6, %dma_wait3A_735, %dma_wait3A_736] : memref<64x300x4xf32, #tpu.memory_space<hbm>> -> memref<1x24x4xf32, #tpu.memory_space<hbm>>
      %dma_wait3A_738 = tpu.memref_squeeze %dma_wait3A_737 : memref<1x24x4xf32, #tpu.memory_space<hbm>> -> memref<24x4xf32, #tpu.memory_space<hbm>>
      %dma_wait3A_739 = arith.constant 0 : i32
      %dma_wait3A_740 = arith.constant 0 : i32
      %dma_wait3A_741 = tpu.memref_slice %arg8[%dma_wait3A_739, %dma_wait3A_740] : memref<48x4xf32, #tpu.memory_space<vmem>> -> memref<24x4xf32, #tpu.memory_space<vmem>>
      %dma_wait3A_742 = arith.constant 0 : i32
      %dma_wait3A_743 = arith.constant 0 : i32
      %dma_wait3A_744 = tpu.memref_slice %arg3[%add3A_6, %dma_wait3A_742, %dma_wait3A_743] : memref<64x300x4xf32, #tpu.memory_space<hbm>> -> memref<1x24x4xf32, #tpu.memory_space<hbm>>
      %dma_wait3A_745 = tpu.memref_squeeze %dma_wait3A_744 : memref<1x24x4xf32, #tpu.memory_space<hbm>> -> memref<24x4xf32, #tpu.memory_space<hbm>>
      tpu.wait_dma2 semaphore(%run_scoped3A : memref<!tpu.dma_semaphore, #tpu.memory_space<semaphore_mem>>) src(%dma_wait3A_745 : memref<24x4xf32, #tpu.memory_space<hbm>>) dst(%dma_wait3A_741 : memref<24x4xf32, #tpu.memory_space<vmem>>)
      tpu.yield
    }) : () -> ()
    %add3A_7 = arith.constant 1 : i32
    %add3A_8 = arith.addi %mul3A_2, %add3A_7 : i32
    "tpu.region"() ({
      %run_scoped3A = tpu.sem_alloc : memref<!tpu.dma_semaphore, #tpu.memory_space<semaphore_mem>>
      %dma_start3A = arith.constant 24 : i32
      %dma_start3A_720 = arith.constant 0 : i32
      %dma_start3A_721 = tpu.memref_slice %arg7[%dma_start3A, %dma_start3A_720] : memref<48x92xf32, #tpu.memory_space<vmem>> -> memref<24x92xf32, #tpu.memory_space<vmem>>
      %dma_start3A_722 = arith.constant 0 : i32
      %dma_start3A_723 = arith.constant 0 : i32
      %dma_start3A_724 = tpu.memref_slice %arg2[%add3A_8, %dma_start3A_722, %dma_start3A_723] : memref<64x300x92xf32, #tpu.memory_space<hbm>> -> memref<1x24x92xf32, #tpu.memory_space<hbm>>
      %dma_start3A_725 = tpu.memref_squeeze %dma_start3A_724 : memref<1x24x92xf32, #tpu.memory_space<hbm>> -> memref<24x92xf32, #tpu.memory_space<hbm>>
      %dma_start3A_726 = arith.constant 24 : i32
      %dma_start3A_727 = arith.constant 0 : i32
      %dma_start3A_728 = tpu.memref_slice %arg7[%dma_start3A_726, %dma_start3A_727] : memref<48x92xf32, #tpu.memory_space<vmem>> -> memref<24x92xf32, #tpu.memory_space<vmem>>
      %dma_start3A_729 = arith.constant 0 : i32
      %dma_start3A_730 = arith.constant 0 : i32
      %dma_start3A_731 = tpu.memref_slice %arg2[%add3A_8, %dma_start3A_729, %dma_start3A_730] : memref<64x300x92xf32, #tpu.memory_space<hbm>> -> memref<1x24x92xf32, #tpu.memory_space<hbm>>
      %dma_start3A_732 = tpu.memref_squeeze %dma_start3A_731 : memref<1x24x92xf32, #tpu.memory_space<hbm>> -> memref<24x92xf32, #tpu.memory_space<hbm>>
      tpu.enqueue_dma source(%dma_start3A_732 : memref<24x92xf32, #tpu.memory_space<hbm>>) target(%dma_start3A_728 : memref<24x92xf32, #tpu.memory_space<vmem>>) target_semaphore(%run_scoped3A : memref<!tpu.dma_semaphore, #tpu.memory_space<semaphore_mem>>)
      %dma_wait3A = arith.constant 24 : i32
      %dma_wait3A_733 = arith.constant 0 : i32
      %dma_wait3A_734 = tpu.memref_slice %arg7[%dma_wait3A, %dma_wait3A_733] : memref<48x92xf32, #tpu.memory_space<vmem>> -> memref<24x92xf32, #tpu.memory_space<vmem>>
      %dma_wait3A_735 = arith.constant 0 : i32
      %dma_wait3A_736 = arith.constant 0 : i32
      %dma_wait3A_737 = tpu.memref_slice %arg2[%add3A_8, %dma_wait3A_735, %dma_wait3A_736] : memref<64x300x92xf32, #tpu.memory_space<hbm>> -> memref<1x24x92xf32, #tpu.memory_space<hbm>>
      %dma_wait3A_738 = tpu.memref_squeeze %dma_wait3A_737 : memref<1x24x92xf32, #tpu.memory_space<hbm>> -> memref<24x92xf32, #tpu.memory_space<hbm>>
      %dma_wait3A_739 = arith.constant 24 : i32
      %dma_wait3A_740 = arith.constant 0 : i32
      %dma_wait3A_741 = tpu.memref_slice %arg7[%dma_wait3A_739, %dma_wait3A_740] : memref<48x92xf32, #tpu.memory_space<vmem>> -> memref<24x92xf32, #tpu.memory_space<vmem>>
      %dma_wait3A_742 = arith.constant 0 : i32
      %dma_wait3A_743 = arith.constant 0 : i32
      %dma_wait3A_744 = tpu.memref_slice %arg2[%add3A_8, %dma_wait3A_742, %dma_wait3A_743] : memref<64x300x92xf32, #tpu.memory_space<hbm>> -> memref<1x24x92xf32, #tpu.memory_space<hbm>>
      %dma_wait3A_745 = tpu.memref_squeeze %dma_wait3A_744 : memref<1x24x92xf32, #tpu.memory_space<hbm>> -> memref<24x92xf32, #tpu.memory_space<hbm>>
      tpu.wait_dma2 semaphore(%run_scoped3A : memref<!tpu.dma_semaphore, #tpu.memory_space<semaphore_mem>>) src(%dma_wait3A_745 : memref<24x92xf32, #tpu.memory_space<hbm>>) dst(%dma_wait3A_741 : memref<24x92xf32, #tpu.memory_space<vmem>>)
      tpu.yield
    }) : () -> ()
    %add3A_9 = arith.constant 1 : i32
    %add3A_10 = arith.addi %mul3A_2, %add3A_9 : i32
    "tpu.region"() ({
      %run_scoped3A = tpu.sem_alloc : memref<!tpu.dma_semaphore, #tpu.memory_space<semaphore_mem>>
      %dma_start3A = arith.constant 24 : i32
      %dma_start3A_720 = arith.constant 0 : i32
      %dma_start3A_721 = tpu.memref_slice %arg8[%dma_start3A, %dma_start3A_720] : memref<48x4xf32, #tpu.memory_space<vmem>> -> memref<24x4xf32, #tpu.memory_space<vmem>>
      %dma_start3A_722 = arith.constant 0 : i32
      %dma_start3A_723 = arith.constant 0 : i32
      %dma_start3A_724 = tpu.memref_slice %arg3[%add3A_10, %dma_start3A_722, %dma_start3A_723] : memref<64x300x4xf32, #tpu.memory_space<hbm>> -> memref<1x24x4xf32, #tpu.memory_space<hbm>>
      %dma_start3A_725 = tpu.memref_squeeze %dma_start3A_724 : memref<1x24x4xf32, #tpu.memory_space<hbm>> -> memref<24x4xf32, #tpu.memory_space<hbm>>
      %dma_start3A_726 = arith.constant 24 : i32
      %dma_start3A_727 = arith.constant 0 : i32
      %dma_start3A_728 = tpu.memref_slice %arg8[%dma_start3A_726, %dma_start3A_727] : memref<48x4xf32, #tpu.memory_space<vmem>> -> memref<24x4xf32, #tpu.memory_space<vmem>>
      %dma_start3A_729 = arith.constant 0 : i32
      %dma_start3A_730 = arith.constant 0 : i32
      %dma_start3A_731 = tpu.memref_slice %arg3[%add3A_10, %dma_start3A_729, %dma_start3A_730] : memref<64x300x4xf32, #tpu.memory_space<hbm>> -> memref<1x24x4xf32, #tpu.memory_space<hbm>>
      %dma_start3A_732 = tpu.memref_squeeze %dma_start3A_731 : memref<1x24x4xf32, #tpu.memory_space<hbm>> -> memref<24x4xf32, #tpu.memory_space<hbm>>
      tpu.enqueue_dma source(%dma_start3A_732 : memref<24x4xf32, #tpu.memory_space<hbm>>) target(%dma_start3A_728 : memref<24x4xf32, #tpu.memory_space<vmem>>) target_semaphore(%run_scoped3A : memref<!tpu.dma_semaphore, #tpu.memory_space<semaphore_mem>>)
      %dma_wait3A = arith.constant 24 : i32
      %dma_wait3A_733 = arith.constant 0 : i32
      %dma_wait3A_734 = tpu.memref_slice %arg8[%dma_wait3A, %dma_wait3A_733] : memref<48x4xf32, #tpu.memory_space<vmem>> -> memref<24x4xf32, #tpu.memory_space<vmem>>
      %dma_wait3A_735 = arith.constant 0 : i32
      %dma_wait3A_736 = arith.constant 0 : i32
      %dma_wait3A_737 = tpu.memref_slice %arg3[%add3A_10, %dma_wait3A_735, %dma_wait3A_736] : memref<64x300x4xf32, #tpu.memory_space<hbm>> -> memref<1x24x4xf32, #tpu.memory_space<hbm>>
      %dma_wait3A_738 = tpu.memref_squeeze %dma_wait3A_737 : memref<1x24x4xf32, #tpu.memory_space<hbm>> -> memref<24x4xf32, #tpu.memory_space<hbm>>
      %dma_wait3A_739 = arith.constant 24 : i32
      %dma_wait3A_740 = arith.constant 0 : i32
      %dma_wait3A_741 = tpu.memref_slice %arg8[%dma_wait3A_739, %dma_wait3A_740] : memref<48x4xf32, #tpu.memory_space<vmem>> -> memref<24x4xf32, #tpu.memory_space<vmem>>
      %dma_wait3A_742 = arith.constant 0 : i32
      %dma_wait3A_743 = arith.constant 0 : i32
      %dma_wait3A_744 = tpu.memref_slice %arg3[%add3A_10, %dma_wait3A_742, %dma_wait3A_743] : memref<64x300x4xf32, #tpu.memory_space<hbm>> -> memref<1x24x4xf32, #tpu.memory_space<hbm>>
      %dma_wait3A_745 = tpu.memref_squeeze %dma_wait3A_744 : memref<1x24x4xf32, #tpu.memory_space<hbm>> -> memref<24x4xf32, #tpu.memory_space<hbm>>
      tpu.wait_dma2 semaphore(%run_scoped3A : memref<!tpu.dma_semaphore, #tpu.memory_space<semaphore_mem>>) src(%dma_wait3A_745 : memref<24x4xf32, #tpu.memory_space<hbm>>) dst(%dma_wait3A_741 : memref<24x4xf32, #tpu.memory_space<vmem>>)
      tpu.yield
    }) : () -> ()
    %mul3A_11 = arith.constant 40 : i32
    %mul3A_12 = arith.muli %add3A, %mul3A_11 : i32
    "tpu.region"() ({
      %run_scoped3A = tpu.sem_alloc : memref<!tpu.dma_semaphore, #tpu.memory_space<semaphore_mem>>
      %dma_start3A = arith.constant 0 : i32
      %dma_start3A_720 = tpu.memref_slice %arg4[%mul3A_12, %dma_start3A] : memref<1280x5xf32, #tpu.memory_space<hbm>> -> memref<40x5xf32, #tpu.memory_space<hbm>>
      %dma_start3A_721 = arith.constant 0 : i32
      %dma_start3A_722 = tpu.memref_slice %arg4[%mul3A_12, %dma_start3A_721] : memref<1280x5xf32, #tpu.memory_space<hbm>> -> memref<40x5xf32, #tpu.memory_space<hbm>>
      tpu.enqueue_dma source(%dma_start3A_722 : memref<40x5xf32, #tpu.memory_space<hbm>>) target(%arg9 : memref<40x5xf32, #tpu.memory_space<vmem>>) target_semaphore(%run_scoped3A : memref<!tpu.dma_semaphore, #tpu.memory_space<semaphore_mem>>)
      %dma_wait3A = arith.constant 0 : i32
      %dma_wait3A_723 = tpu.memref_slice %arg4[%mul3A_12, %dma_wait3A] : memref<1280x5xf32, #tpu.memory_space<hbm>> -> memref<40x5xf32, #tpu.memory_space<hbm>>
      %dma_wait3A_724 = arith.constant 0 : i32
      %dma_wait3A_725 = tpu.memref_slice %arg4[%mul3A_12, %dma_wait3A_724] : memref<1280x5xf32, #tpu.memory_space<hbm>> -> memref<40x5xf32, #tpu.memory_space<hbm>>
      tpu.wait_dma2 semaphore(%run_scoped3A : memref<!tpu.dma_semaphore, #tpu.memory_space<semaphore_mem>>) src(%dma_wait3A_725 : memref<40x5xf32, #tpu.memory_space<hbm>>) dst(%arg9 : memref<40x5xf32, #tpu.memory_space<vmem>>)
      tpu.yield
    }) : () -> ()
    "tpu.region"() ({
      %run_scoped3A = tpu.sem_alloc : memref<!tpu.dma_semaphore, #tpu.memory_space<semaphore_mem>>
      tpu.enqueue_dma source(%arg5 : memref<64xi32, #tpu.memory_space<hbm>>) target(%arg10 : memref<64xi32, #tpu.memory_space<vmem>>) target_semaphore(%run_scoped3A : memref<!tpu.dma_semaphore, #tpu.memory_space<semaphore_mem>>)
      tpu.wait_dma2 semaphore(%run_scoped3A : memref<!tpu.dma_semaphore, #tpu.memory_space<semaphore_mem>>) src(%arg5 : memref<64xi32, #tpu.memory_space<hbm>>) dst(%arg10 : memref<64xi32, #tpu.memory_space<vmem>>)
      tpu.yield
    }) : () -> ()
    %iota3A = tpu.iota {dimensions = array<i32: 0>} : vector<16xi32>
    %broadcast_in_dim3A = arith.constant 0.000000e+00 : f32
    %broadcast_in_dim3A_13 = vector.broadcast %broadcast_in_dim3A : f32 to vector<16xf32>
    %broadcast_in_dim3A_14 = arith.constant 0.000000e+00 : f32
    %broadcast_in_dim3A_15 = vector.broadcast %broadcast_in_dim3A_14 : f32 to vector<16xf32>
    %broadcast_in_dim3A_16 = arith.constant 0.000000e+00 : f32
    %broadcast_in_dim3A_17 = vector.broadcast %broadcast_in_dim3A_16 : f32 to vector<16xf32>
    %broadcast_in_dim3A_18 = arith.constant 0.000000e+00 : f32
    %broadcast_in_dim3A_19 = vector.broadcast %broadcast_in_dim3A_18 : f32 to vector<16xf32>
    %broadcast_in_dim3A_20 = arith.constant 16 : i32
    %broadcast_in_dim3A_21 = vector.broadcast %broadcast_in_dim3A_20 : i32 to vector<16xi32>
    %lt3A = arith.cmpi slt, %iota3A, %broadcast_in_dim3A_21 : vector<16xi32>
    %broadcast_in_dim3A_22 = arith.constant 0 : i32
    %broadcast_in_dim3A_23 = vector.broadcast %broadcast_in_dim3A_22 : i32 to vector<16xi32>
    %add3A_24 = arith.addi %broadcast_in_dim3A_23, %iota3A : vector<16xi32>
    %broadcast_in_dim3A_25 = arith.constant 0 : i32
    %broadcast_in_dim3A_26 = vector.broadcast %broadcast_in_dim3A_25 : i32 to vector<16xi32>
    %select_n3A = arith.select %lt3A, %add3A_24, %broadcast_in_dim3A_26 : vector<16xi1>, vector<16xi32>
    %broadcast_in_dim3A_27 = arith.constant 4 : i32
    %broadcast_in_dim3A_28 = vector.broadcast %broadcast_in_dim3A_27 : i32 to vector<16xi32>
    %broadcast_in_dim3A_29 = arith.constant 0 : i32
    %broadcast_in_dim3A_30 = vector.broadcast %broadcast_in_dim3A_29 : i32 to vector<16xi32>
    %broadcast_in_dim3A_31 = arith.constant 20 : i32
    %broadcast_in_dim3A_32 = vector.broadcast %broadcast_in_dim3A_31 : i32 to vector<16xi32>
    %ge3A = arith.cmpi sge, %select_n3A, %broadcast_in_dim3A_32 : vector<16xi32>
    %broadcast_in_dim3A_33 = arith.constant 1 : i32
    %broadcast_in_dim3A_34 = vector.broadcast %broadcast_in_dim3A_33 : i32 to vector<16xi32>
    %broadcast_in_dim3A_35 = arith.constant 0 : i32
    %broadcast_in_dim3A_36 = vector.broadcast %broadcast_in_dim3A_35 : i32 to vector<16xi32>
    %select_n3A_37 = arith.select %ge3A, %broadcast_in_dim3A_34, %broadcast_in_dim3A_36 : vector<16xi1>, vector<16xi32>
    %add3A_38 = arith.addi %broadcast_in_dim3A_30, %select_n3A_37 : vector<16xi32>
    %mul3A_39 = arith.muli %broadcast_in_dim3A_28, %add3A_38 : vector<16xi32>
    %add3A_40 = arith.addi %select_n3A, %mul3A_39 : vector<16xi32>
    %broadcast_in_dim3A_41 = arith.constant 0xFF800000 : f32
    %broadcast_in_dim3A_42 = vector.broadcast %broadcast_in_dim3A_41 : f32 to vector<16xf32>
    %broadcast_in_dim3A_43 = arith.constant 92 : i32
    %broadcast_in_dim3A_44 = vector.broadcast %broadcast_in_dim3A_43 : i32 to vector<16xi32>
    %scan3A = arith.constant 0 : i32
    %scan3A_45 = arith.constant 92 : i32
    %scan3A_46 = arith.addi %scan3A, %scan3A_45 : i32
    %scan3A_47 = arith.constant 1 : i32
    %scan3A_48:2 = scf.for %scan3A_720 = %scan3A to %scan3A_46 step %scan3A_47 iter_args(%scan3A_721 = %broadcast_in_dim3A_42, %scan3A_722 = %broadcast_in_dim3A_44) -> (vector<16xf32>, vector<16xi32>)  : i32 {
      %broadcast_in_dim3A_723 = vector.broadcast %scan3A_720 : i32 to vector<16xi32>
      %gather3A_724 = tpu.vector_load_idx %arg7[%add3A_40, %broadcast_in_dim3A_723] : memref<48x92xf32, #tpu.memory_space<vmem>>[vector<16xi32>, vector<16xi32>], vector<16xf32>,
      %gt3A = arith.cmpf ogt, %gather3A_724, %scan3A_721 : vector<16xf32>
      %max3A = arith.maximumf %scan3A_721, %gather3A_724 : vector<16xf32>
      %select_n3A_725 = arith.select %gt3A, %broadcast_in_dim3A_723, %scan3A_722 : vector<16xi1>, vector<16xi32>
      scf.yield %max3A, %select_n3A_725 : vector<16xf32>, vector<16xi32>
    }
    %scan3A_49 = arith.constant 92 : i32
    %scan3A_50 = arith.constant 0 : i32
    %scan3A_51 = arith.constant 92 : i32
    %scan3A_52 = arith.addi %scan3A_50, %scan3A_51 : i32
    %scan3A_53 = arith.constant 1 : i32
    %scan3A_54 = scf.for %scan3A_720 = %scan3A_50 to %scan3A_52 step %scan3A_53 iter_args(%scan3A_721 = %broadcast_in_dim3A_19) -> (vector<16xf32>)  : i32 {
      %broadcast_in_dim3A_722 = vector.broadcast %scan3A_720 : i32 to vector<16xi32>
      %gather3A_723 = tpu.vector_load_idx %arg7[%add3A_40, %broadcast_in_dim3A_722] : memref<48x92xf32, #tpu.memory_space<vmem>>[vector<16xi32>, vector<16xi32>], vector<16xf32>,
      %sub3A_724 = arith.subf %gather3A_723, %scan3A_48#0 : vector<16xf32>
      %exp3A = math.exp %sub3A_724 : vector<16xf32>
      %add3A_725 = arith.addf %scan3A_721, %exp3A : vector<16xf32>
      scf.yield %add3A_725 : vector<16xf32>
    }
    %scan3A_55 = arith.constant 92 : i32
    %bitcast3A = vector.bitcast %scan3A_54 : vector<16xf32> to vector<16xi32>
    %broadcast_in_dim3A_56 = arith.constant 23 : i32
    %broadcast_in_dim3A_57 = vector.broadcast %broadcast_in_dim3A_56 : i32 to vector<16xi32>
    %shift_right_arithmetic3A = arith.shrsi %bitcast3A, %broadcast_in_dim3A_57 : vector<16xi32>
    %broadcast_in_dim3A_58 = arith.constant 127 : i32
    %broadcast_in_dim3A_59 = vector.broadcast %broadcast_in_dim3A_58 : i32 to vector<16xi32>
    %sub3A = arith.subi %shift_right_arithmetic3A, %broadcast_in_dim3A_59 : vector<16xi32>
    %broadcast_in_dim3A_60 = arith.constant 8388607 : i32
    %broadcast_in_dim3A_61 = vector.broadcast %broadcast_in_dim3A_60 : i32 to vector<16xi32>
    %and3A = arith.andi %bitcast3A, %broadcast_in_dim3A_61 : vector<16xi32>
    %broadcast_in_dim3A_62 = arith.constant 1065353216 : i32
    %broadcast_in_dim3A_63 = vector.broadcast %broadcast_in_dim3A_62 : i32 to vector<16xi32>
    %or3A = arith.ori %and3A, %broadcast_in_dim3A_63 : vector<16xi32>
    %bitcast3A_64 = vector.bitcast %or3A : vector<16xi32> to vector<16xf32>
    %broadcast_in_dim3A_65 = arith.constant 1.000000e+00 : f32
    %broadcast_in_dim3A_66 = vector.broadcast %broadcast_in_dim3A_65 : f32 to vector<16xf32>
    %sub3A_67 = arith.subf %bitcast3A_64, %broadcast_in_dim3A_66 : vector<16xf32>
    %broadcast_in_dim3A_68 = arith.constant 0.0145986406 : f32
    %broadcast_in_dim3A_69 = vector.broadcast %broadcast_in_dim3A_68 : f32 to vector<16xf32>
    %mul3A_70 = arith.mulf %broadcast_in_dim3A_69, %sub3A_67 : vector<16xf32>
    %broadcast_in_dim3A_71 = arith.constant -0.0759208128 : f32
    %broadcast_in_dim3A_72 = vector.broadcast %broadcast_in_dim3A_71 : f32 to vector<16xf32>
    %add3A_73 = arith.addf %mul3A_70, %broadcast_in_dim3A_72 : vector<16xf32>
    %mul3A_74 = arith.mulf %add3A_73, %sub3A_67 : vector<16xf32>
    %broadcast_in_dim3A_75 = arith.constant 0.188652277 : f32
    %broadcast_in_dim3A_76 = vector.broadcast %broadcast_in_dim3A_75 : f32 to vector<16xf32>
    %add3A_77 = arith.addf %mul3A_74, %broadcast_in_dim3A_76 : vector<16xf32>
    %mul3A_78 = arith.mulf %add3A_77, %sub3A_67 : vector<16xf32>
    %broadcast_in_dim3A_79 = arith.constant -0.321482956 : f32
    %broadcast_in_dim3A_80 = vector.broadcast %broadcast_in_dim3A_79 : f32 to vector<16xf32>
    %add3A_81 = arith.addf %mul3A_78, %broadcast_in_dim3A_80 : vector<16xf32>
    %mul3A_82 = arith.mulf %add3A_81, %sub3A_67 : vector<16xf32>
    %broadcast_in_dim3A_83 = arith.constant 0.47172153 : f32
    %broadcast_in_dim3A_84 = vector.broadcast %broadcast_in_dim3A_83 : f32 to vector<16xf32>
    %add3A_85 = arith.addf %mul3A_82, %broadcast_in_dim3A_84 : vector<16xf32>
    %mul3A_86 = arith.mulf %add3A_85, %sub3A_67 : vector<16xf32>
    %broadcast_in_dim3A_87 = arith.constant -0.720202565 : f32
    %broadcast_in_dim3A_88 = vector.broadcast %broadcast_in_dim3A_87 : f32 to vector<16xf32>
    %add3A_89 = arith.addf %mul3A_86, %broadcast_in_dim3A_88 : vector<16xf32>
    %mul3A_90 = arith.mulf %add3A_89, %sub3A_67 : vector<16xf32>
    %broadcast_in_dim3A_91 = arith.constant 1.44263363 : f32
    %broadcast_in_dim3A_92 = vector.broadcast %broadcast_in_dim3A_91 : f32 to vector<16xf32>
    %add3A_93 = arith.addf %mul3A_90, %broadcast_in_dim3A_92 : vector<16xf32>
    %mul3A_94 = arith.mulf %add3A_93, %sub3A_67 : vector<16xf32>
    %broadcast_in_dim3A_95 = arith.constant 8.12117207E-7 : f32
    %broadcast_in_dim3A_96 = vector.broadcast %broadcast_in_dim3A_95 : f32 to vector<16xf32>
    %add3A_97 = arith.addf %mul3A_94, %broadcast_in_dim3A_96 : vector<16xf32>
    %convert_element_type3A = arith.sitofp %sub3A : vector<16xi32> to vector<16xf32>
    %add3A_98 = arith.addf %convert_element_type3A, %add3A_97 : vector<16xf32>
    %broadcast_in_dim3A_99 = arith.constant 0.693147182 : f32
    %broadcast_in_dim3A_100 = vector.broadcast %broadcast_in_dim3A_99 : f32 to vector<16xf32>
    %mul3A_101 = arith.mulf %add3A_98, %broadcast_in_dim3A_100 : vector<16xf32>
    %add3A_102 = arith.addf %mul3A_101, %scan3A_48#0 : vector<16xf32>
    %broadcast_in_dim3A_103 = arith.constant 4 : i32
    %broadcast_in_dim3A_104 = vector.broadcast %broadcast_in_dim3A_103 : i32 to vector<16xi32>
    %gather3A = tpu.vector_load_idx %arg9[%select_n3A, %broadcast_in_dim3A_104] : memref<40x5xf32, #tpu.memory_space<vmem>>[vector<16xi32>, vector<16xi32>], vector<16xf32>,
    %convert_element_type3A_105 = arith.fptosi %gather3A : vector<16xf32> to vector<16xi32>
    %gather3A_106 = tpu.vector_load_idx %arg7[%add3A_40, %convert_element_type3A_105] : memref<48x92xf32, #tpu.memory_space<vmem>>[vector<16xi32>, vector<16xi32>], vector<16xf32>,
    %broadcast_in_dim3A_107 = arith.constant 91 : i32
    %broadcast_in_dim3A_108 = vector.broadcast %broadcast_in_dim3A_107 : i32 to vector<16xi32>
    %gather3A_109 = tpu.vector_load_idx %arg7[%add3A_40, %broadcast_in_dim3A_108] : memref<48x92xf32, #tpu.memory_space<vmem>>[vector<16xi32>, vector<16xi32>], vector<16xf32>,
    %broadcast_in_dim3A_110 = arith.constant 91 : i32
    %broadcast_in_dim3A_111 = vector.broadcast %broadcast_in_dim3A_110 : i32 to vector<16xi32>
    %eq3A = arith.cmpi eq, %convert_element_type3A_105, %broadcast_in_dim3A_111 : vector<16xi32>
    %broadcast_in_dim3A_112 = arith.constant 1.000000e-01 : f32
    %broadcast_in_dim3A_113 = vector.broadcast %broadcast_in_dim3A_112 : f32 to vector<16xf32>
    %broadcast_in_dim3A_114 = arith.constant 1.000000e+00 : f32
    %broadcast_in_dim3A_115 = vector.broadcast %broadcast_in_dim3A_114 : f32 to vector<16xf32>
    %select_n3A_116 = arith.select %eq3A, %broadcast_in_dim3A_113, %broadcast_in_dim3A_115 : vector<16xi1>, vector<16xf32>
    %sub3A_117 = arith.subf %add3A_102, %gather3A_106 : vector<16xf32>
    %mul3A_118 = arith.mulf %select_n3A_116, %sub3A_117 : vector<16xf32>
    %broadcast_in_dim3A_119 = arith.constant 1.000000e-01 : f32
    %broadcast_in_dim3A_120 = vector.broadcast %broadcast_in_dim3A_119 : f32 to vector<16xf32>
    %sub3A_121 = arith.subf %add3A_102, %gather3A_109 : vector<16xf32>
    %mul3A_122 = arith.mulf %broadcast_in_dim3A_120, %sub3A_121 : vector<16xf32>
    %sub3A_123 = arith.subf %mul3A_118, %mul3A_122 : vector<16xf32>
    %select_n3A_124 = arith.select %lt3A, %sub3A_123, %broadcast_in_dim3A_19 : vector<16xi1>, vector<16xf32>
    %add3A_125 = arith.addf %broadcast_in_dim3A_13, %select_n3A_124 : vector<16xf32>
    %select_n3A_126 = arith.select %lt3A, %select_n3A_116, %broadcast_in_dim3A_19 : vector<16xi1>, vector<16xf32>
    %add3A_127 = arith.addf %broadcast_in_dim3A_15, %select_n3A_126 : vector<16xf32>
    %eq3A_128 = arith.cmpi eq, %scan3A_48#1, %convert_element_type3A_105 : vector<16xi32>
    %and3A_129 = arith.andi %lt3A, %eq3A_128 : vector<16xi1>
    %broadcast_in_dim3A_130 = arith.constant 1.000000e+00 : f32
    %broadcast_in_dim3A_131 = vector.broadcast %broadcast_in_dim3A_130 : f32 to vector<16xf32>
    %select_n3A_132 = arith.select %and3A_129, %broadcast_in_dim3A_131, %broadcast_in_dim3A_19 : vector<16xi1>, vector<16xf32>
    %add3A_133 = arith.addf %broadcast_in_dim3A_17, %select_n3A_132 : vector<16xf32>
    %broadcast_in_dim3A_134 = arith.constant 16 : i32
    %broadcast_in_dim3A_135 = vector.broadcast %broadcast_in_dim3A_134 : i32 to vector<16xi32>
    %lt3A_136 = arith.cmpi slt, %iota3A, %broadcast_in_dim3A_135 : vector<16xi32>
    %broadcast_in_dim3A_137 = arith.constant 16 : i32
    %broadcast_in_dim3A_138 = vector.broadcast %broadcast_in_dim3A_137 : i32 to vector<16xi32>
    %add3A_139 = arith.addi %broadcast_in_dim3A_138, %iota3A : vector<16xi32>
    %broadcast_in_dim3A_140 = arith.constant 0 : i32
    %broadcast_in_dim3A_141 = vector.broadcast %broadcast_in_dim3A_140 : i32 to vector<16xi32>
    %select_n3A_142 = arith.select %lt3A_136, %add3A_139, %broadcast_in_dim3A_141 : vector<16xi1>, vector<16xi32>
    %broadcast_in_dim3A_143 = arith.constant 4 : i32
    %broadcast_in_dim3A_144 = vector.broadcast %broadcast_in_dim3A_143 : i32 to vector<16xi32>
    %broadcast_in_dim3A_145 = arith.constant 0 : i32
    %broadcast_in_dim3A_146 = vector.broadcast %broadcast_in_dim3A_145 : i32 to vector<16xi32>
    %broadcast_in_dim3A_147 = arith.constant 20 : i32
    %broadcast_in_dim3A_148 = vector.broadcast %broadcast_in_dim3A_147 : i32 to vector<16xi32>
    %ge3A_149 = arith.cmpi sge, %select_n3A_142, %broadcast_in_dim3A_148 : vector<16xi32>
    %broadcast_in_dim3A_150 = arith.constant 1 : i32
    %broadcast_in_dim3A_151 = vector.broadcast %broadcast_in_dim3A_150 : i32 to vector<16xi32>
    %broadcast_in_dim3A_152 = arith.constant 0 : i32
    %broadcast_in_dim3A_153 = vector.broadcast %broadcast_in_dim3A_152 : i32 to vector<16xi32>
    %select_n3A_154 = arith.select %ge3A_149, %broadcast_in_dim3A_151, %broadcast_in_dim3A_153 : vector<16xi1>, vector<16xi32>
    %add3A_155 = arith.addi %broadcast_in_dim3A_146, %select_n3A_154 : vector<16xi32>
    %mul3A_156 = arith.muli %broadcast_in_dim3A_144, %add3A_155 : vector<16xi32>
    %add3A_157 = arith.addi %select_n3A_142, %mul3A_156 : vector<16xi32>
    %broadcast_in_dim3A_158 = arith.constant 0xFF800000 : f32
    %broadcast_in_dim3A_159 = vector.broadcast %broadcast_in_dim3A_158 : f32 to vector<16xf32>
    %broadcast_in_dim3A_160 = arith.constant 92 : i32
    %broadcast_in_dim3A_161 = vector.broadcast %broadcast_in_dim3A_160 : i32 to vector<16xi32>
    %scan3A_162 = arith.constant 0 : i32
    %scan3A_163 = arith.constant 92 : i32
    %scan3A_164 = arith.addi %scan3A_162, %scan3A_163 : i32
    %scan3A_165 = arith.constant 1 : i32
    %scan3A_166:2 = scf.for %scan3A_720 = %scan3A_162 to %scan3A_164 step %scan3A_165 iter_args(%scan3A_721 = %broadcast_in_dim3A_159, %scan3A_722 = %broadcast_in_dim3A_161) -> (vector<16xf32>, vector<16xi32>)  : i32 {
      %broadcast_in_dim3A_723 = vector.broadcast %scan3A_720 : i32 to vector<16xi32>
      %gather3A_724 = tpu.vector_load_idx %arg7[%add3A_157, %broadcast_in_dim3A_723] : memref<48x92xf32, #tpu.memory_space<vmem>>[vector<16xi32>, vector<16xi32>], vector<16xf32>,
      %gt3A = arith.cmpf ogt, %gather3A_724, %scan3A_721 : vector<16xf32>
      %max3A = arith.maximumf %scan3A_721, %gather3A_724 : vector<16xf32>
      %select_n3A_725 = arith.select %gt3A, %broadcast_in_dim3A_723, %scan3A_722 : vector<16xi1>, vector<16xi32>
      scf.yield %max3A, %select_n3A_725 : vector<16xf32>, vector<16xi32>
    }
    %scan3A_167 = arith.constant 92 : i32
    %scan3A_168 = arith.constant 0 : i32
    %scan3A_169 = arith.constant 92 : i32
    %scan3A_170 = arith.addi %scan3A_168, %scan3A_169 : i32
    %scan3A_171 = arith.constant 1 : i32
    %scan3A_172 = scf.for %scan3A_720 = %scan3A_168 to %scan3A_170 step %scan3A_171 iter_args(%scan3A_721 = %broadcast_in_dim3A_19) -> (vector<16xf32>)  : i32 {
      %broadcast_in_dim3A_722 = vector.broadcast %scan3A_720 : i32 to vector<16xi32>
      %gather3A_723 = tpu.vector_load_idx %arg7[%add3A_157, %broadcast_in_dim3A_722] : memref<48x92xf32, #tpu.memory_space<vmem>>[vector<16xi32>, vector<16xi32>], vector<16xf32>,
      %sub3A_724 = arith.subf %gather3A_723, %scan3A_166#0 : vector<16xf32>
      %exp3A = math.exp %sub3A_724 : vector<16xf32>
      %add3A_725 = arith.addf %scan3A_721, %exp3A : vector<16xf32>
      scf.yield %add3A_725 : vector<16xf32>
    }
    %scan3A_173 = arith.constant 92 : i32
    %bitcast3A_174 = vector.bitcast %scan3A_172 : vector<16xf32> to vector<16xi32>
    %broadcast_in_dim3A_175 = arith.constant 23 : i32
    %broadcast_in_dim3A_176 = vector.broadcast %broadcast_in_dim3A_175 : i32 to vector<16xi32>
    %shift_right_arithmetic3A_177 = arith.shrsi %bitcast3A_174, %broadcast_in_dim3A_176 : vector<16xi32>
    %broadcast_in_dim3A_178 = arith.constant 127 : i32
    %broadcast_in_dim3A_179 = vector.broadcast %broadcast_in_dim3A_178 : i32 to vector<16xi32>
    %sub3A_180 = arith.subi %shift_right_arithmetic3A_177, %broadcast_in_dim3A_179 : vector<16xi32>
    %broadcast_in_dim3A_181 = arith.constant 8388607 : i32
    %broadcast_in_dim3A_182 = vector.broadcast %broadcast_in_dim3A_181 : i32 to vector<16xi32>
    %and3A_183 = arith.andi %bitcast3A_174, %broadcast_in_dim3A_182 : vector<16xi32>
    %broadcast_in_dim3A_184 = arith.constant 1065353216 : i32
    %broadcast_in_dim3A_185 = vector.broadcast %broadcast_in_dim3A_184 : i32 to vector<16xi32>
    %or3A_186 = arith.ori %and3A_183, %broadcast_in_dim3A_185 : vector<16xi32>
    %bitcast3A_187 = vector.bitcast %or3A_186 : vector<16xi32> to vector<16xf32>
    %broadcast_in_dim3A_188 = arith.constant 1.000000e+00 : f32
    %broadcast_in_dim3A_189 = vector.broadcast %broadcast_in_dim3A_188 : f32 to vector<16xf32>
    %sub3A_190 = arith.subf %bitcast3A_187, %broadcast_in_dim3A_189 : vector<16xf32>
    %broadcast_in_dim3A_191 = arith.constant 0.0145986406 : f32
    %broadcast_in_dim3A_192 = vector.broadcast %broadcast_in_dim3A_191 : f32 to vector<16xf32>
    %mul3A_193 = arith.mulf %broadcast_in_dim3A_192, %sub3A_190 : vector<16xf32>
    %broadcast_in_dim3A_194 = arith.constant -0.0759208128 : f32
    %broadcast_in_dim3A_195 = vector.broadcast %broadcast_in_dim3A_194 : f32 to vector<16xf32>
    %add3A_196 = arith.addf %mul3A_193, %broadcast_in_dim3A_195 : vector<16xf32>
    %mul3A_197 = arith.mulf %add3A_196, %sub3A_190 : vector<16xf32>
    %broadcast_in_dim3A_198 = arith.constant 0.188652277 : f32
    %broadcast_in_dim3A_199 = vector.broadcast %broadcast_in_dim3A_198 : f32 to vector<16xf32>
    %add3A_200 = arith.addf %mul3A_197, %broadcast_in_dim3A_199 : vector<16xf32>
    %mul3A_201 = arith.mulf %add3A_200, %sub3A_190 : vector<16xf32>
    %broadcast_in_dim3A_202 = arith.constant -0.321482956 : f32
    %broadcast_in_dim3A_203 = vector.broadcast %broadcast_in_dim3A_202 : f32 to vector<16xf32>
    %add3A_204 = arith.addf %mul3A_201, %broadcast_in_dim3A_203 : vector<16xf32>
    %mul3A_205 = arith.mulf %add3A_204, %sub3A_190 : vector<16xf32>
    %broadcast_in_dim3A_206 = arith.constant 0.47172153 : f32
    %broadcast_in_dim3A_207 = vector.broadcast %broadcast_in_dim3A_206 : f32 to vector<16xf32>
    %add3A_208 = arith.addf %mul3A_205, %broadcast_in_dim3A_207 : vector<16xf32>
    %mul3A_209 = arith.mulf %add3A_208, %sub3A_190 : vector<16xf32>
    %broadcast_in_dim3A_210 = arith.constant -0.720202565 : f32
    %broadcast_in_dim3A_211 = vector.broadcast %broadcast_in_dim3A_210 : f32 to vector<16xf32>
    %add3A_212 = arith.addf %mul3A_209, %broadcast_in_dim3A_211 : vector<16xf32>
    %mul3A_213 = arith.mulf %add3A_212, %sub3A_190 : vector<16xf32>
    %broadcast_in_dim3A_214 = arith.constant 1.44263363 : f32
    %broadcast_in_dim3A_215 = vector.broadcast %broadcast_in_dim3A_214 : f32 to vector<16xf32>
    %add3A_216 = arith.addf %mul3A_213, %broadcast_in_dim3A_215 : vector<16xf32>
    %mul3A_217 = arith.mulf %add3A_216, %sub3A_190 : vector<16xf32>
    %broadcast_in_dim3A_218 = arith.constant 8.12117207E-7 : f32
    %broadcast_in_dim3A_219 = vector.broadcast %broadcast_in_dim3A_218 : f32 to vector<16xf32>
    %add3A_220 = arith.addf %mul3A_217, %broadcast_in_dim3A_219 : vector<16xf32>
    %convert_element_type3A_221 = arith.sitofp %sub3A_180 : vector<16xi32> to vector<16xf32>
    %add3A_222 = arith.addf %convert_element_type3A_221, %add3A_220 : vector<16xf32>
    %broadcast_in_dim3A_223 = arith.constant 0.693147182 : f32
    %broadcast_in_dim3A_224 = vector.broadcast %broadcast_in_dim3A_223 : f32 to vector<16xf32>
    %mul3A_225 = arith.mulf %add3A_222, %broadcast_in_dim3A_224 : vector<16xf32>
    %add3A_226 = arith.addf %mul3A_225, %scan3A_166#0 : vector<16xf32>
    %broadcast_in_dim3A_227 = arith.constant 4 : i32
    %broadcast_in_dim3A_228 = vector.broadcast %broadcast_in_dim3A_227 : i32 to vector<16xi32>
    %gather3A_229 = tpu.vector_load_idx %arg9[%select_n3A_142, %broadcast_in_dim3A_228] : memref<40x5xf32, #tpu.memory_space<vmem>>[vector<16xi32>, vector<16xi32>], vector<16xf32>,
    %convert_element_type3A_230 = arith.fptosi %gather3A_229 : vector<16xf32> to vector<16xi32>
    %gather3A_231 = tpu.vector_load_idx %arg7[%add3A_157, %convert_element_type3A_230] : memref<48x92xf32, #tpu.memory_space<vmem>>[vector<16xi32>, vector<16xi32>], vector<16xf32>,
    %broadcast_in_dim3A_232 = arith.constant 91 : i32
    %broadcast_in_dim3A_233 = vector.broadcast %broadcast_in_dim3A_232 : i32 to vector<16xi32>
    %gather3A_234 = tpu.vector_load_idx %arg7[%add3A_157, %broadcast_in_dim3A_233] : memref<48x92xf32, #tpu.memory_space<vmem>>[vector<16xi32>, vector<16xi32>], vector<16xf32>,
    %broadcast_in_dim3A_235 = arith.constant 91 : i32
    %broadcast_in_dim3A_236 = vector.broadcast %broadcast_in_dim3A_235 : i32 to vector<16xi32>
    %eq3A_237 = arith.cmpi eq, %convert_element_type3A_230, %broadcast_in_dim3A_236 : vector<16xi32>
    %broadcast_in_dim3A_238 = arith.constant 1.000000e-01 : f32
    %broadcast_in_dim3A_239 = vector.broadcast %broadcast_in_dim3A_238 : f32 to vector<16xf32>
    %broadcast_in_dim3A_240 = arith.constant 1.000000e+00 : f32
    %broadcast_in_dim3A_241 = vector.broadcast %broadcast_in_dim3A_240 : f32 to vector<16xf32>
    %select_n3A_242 = arith.select %eq3A_237, %broadcast_in_dim3A_239, %broadcast_in_dim3A_241 : vector<16xi1>, vector<16xf32>
    %sub3A_243 = arith.subf %add3A_226, %gather3A_231 : vector<16xf32>
    %mul3A_244 = arith.mulf %select_n3A_242, %sub3A_243 : vector<16xf32>
    %broadcast_in_dim3A_245 = arith.constant 1.000000e-01 : f32
    %broadcast_in_dim3A_246 = vector.broadcast %broadcast_in_dim3A_245 : f32 to vector<16xf32>
    %sub3A_247 = arith.subf %add3A_226, %gather3A_234 : vector<16xf32>
    %mul3A_248 = arith.mulf %broadcast_in_dim3A_246, %sub3A_247 : vector<16xf32>
    %sub3A_249 = arith.subf %mul3A_244, %mul3A_248 : vector<16xf32>
    %select_n3A_250 = arith.select %lt3A_136, %sub3A_249, %broadcast_in_dim3A_19 : vector<16xi1>, vector<16xf32>
    %add3A_251 = arith.addf %add3A_125, %select_n3A_250 : vector<16xf32>
    %select_n3A_252 = arith.select %lt3A_136, %select_n3A_242, %broadcast_in_dim3A_19 : vector<16xi1>, vector<16xf32>
    %add3A_253 = arith.addf %add3A_127, %select_n3A_252 : vector<16xf32>
    %eq3A_254 = arith.cmpi eq, %scan3A_166#1, %convert_element_type3A_230 : vector<16xi32>
    %and3A_255 = arith.andi %lt3A_136, %eq3A_254 : vector<16xi1>
    %broadcast_in_dim3A_256 = arith.constant 1.000000e+00 : f32
    %broadcast_in_dim3A_257 = vector.broadcast %broadcast_in_dim3A_256 : f32 to vector<16xf32>
    %select_n3A_258 = arith.select %and3A_255, %broadcast_in_dim3A_257, %broadcast_in_dim3A_19 : vector<16xi1>, vector<16xf32>
    %add3A_259 = arith.addf %add3A_133, %select_n3A_258 : vector<16xf32>
    %broadcast_in_dim3A_260 = arith.constant 8 : i32
    %broadcast_in_dim3A_261 = vector.broadcast %broadcast_in_dim3A_260 : i32 to vector<16xi32>
    %lt3A_262 = arith.cmpi slt, %iota3A, %broadcast_in_dim3A_261 : vector<16xi32>
    %broadcast_in_dim3A_263 = arith.constant 32 : i32
    %broadcast_in_dim3A_264 = vector.broadcast %broadcast_in_dim3A_263 : i32 to vector<16xi32>
    %add3A_265 = arith.addi %broadcast_in_dim3A_264, %iota3A : vector<16xi32>
    %broadcast_in_dim3A_266 = arith.constant 0 : i32
    %broadcast_in_dim3A_267 = vector.broadcast %broadcast_in_dim3A_266 : i32 to vector<16xi32>
    %select_n3A_268 = arith.select %lt3A_262, %add3A_265, %broadcast_in_dim3A_267 : vector<16xi1>, vector<16xi32>
    %broadcast_in_dim3A_269 = arith.constant 4 : i32
    %broadcast_in_dim3A_270 = vector.broadcast %broadcast_in_dim3A_269 : i32 to vector<16xi32>
    %broadcast_in_dim3A_271 = arith.constant 0 : i32
    %broadcast_in_dim3A_272 = vector.broadcast %broadcast_in_dim3A_271 : i32 to vector<16xi32>
    %broadcast_in_dim3A_273 = arith.constant 20 : i32
    %broadcast_in_dim3A_274 = vector.broadcast %broadcast_in_dim3A_273 : i32 to vector<16xi32>
    %ge3A_275 = arith.cmpi sge, %select_n3A_268, %broadcast_in_dim3A_274 : vector<16xi32>
    %broadcast_in_dim3A_276 = arith.constant 1 : i32
    %broadcast_in_dim3A_277 = vector.broadcast %broadcast_in_dim3A_276 : i32 to vector<16xi32>
    %broadcast_in_dim3A_278 = arith.constant 0 : i32
    %broadcast_in_dim3A_279 = vector.broadcast %broadcast_in_dim3A_278 : i32 to vector<16xi32>
    %select_n3A_280 = arith.select %ge3A_275, %broadcast_in_dim3A_277, %broadcast_in_dim3A_279 : vector<16xi1>, vector<16xi32>
    %add3A_281 = arith.addi %broadcast_in_dim3A_272, %select_n3A_280 : vector<16xi32>
    %mul3A_282 = arith.muli %broadcast_in_dim3A_270, %add3A_281 : vector<16xi32>
    %add3A_283 = arith.addi %select_n3A_268, %mul3A_282 : vector<16xi32>
    %broadcast_in_dim3A_284 = arith.constant 0xFF800000 : f32
    %broadcast_in_dim3A_285 = vector.broadcast %broadcast_in_dim3A_284 : f32 to vector<16xf32>
    %broadcast_in_dim3A_286 = arith.constant 92 : i32
    %broadcast_in_dim3A_287 = vector.broadcast %broadcast_in_dim3A_286 : i32 to vector<16xi32>
    %scan3A_288 = arith.constant 0 : i32
    %scan3A_289 = arith.constant 92 : i32
    %scan3A_290 = arith.addi %scan3A_288, %scan3A_289 : i32
    %scan3A_291 = arith.constant 1 : i32
    %scan3A_292:2 = scf.for %scan3A_720 = %scan3A_288 to %scan3A_290 step %scan3A_291 iter_args(%scan3A_721 = %broadcast_in_dim3A_285, %scan3A_722 = %broadcast_in_dim3A_287) -> (vector<16xf32>, vector<16xi32>)  : i32 {
      %broadcast_in_dim3A_723 = vector.broadcast %scan3A_720 : i32 to vector<16xi32>
      %gather3A_724 = tpu.vector_load_idx %arg7[%add3A_283, %broadcast_in_dim3A_723] : memref<48x92xf32, #tpu.memory_space<vmem>>[vector<16xi32>, vector<16xi32>], vector<16xf32>,
      %gt3A = arith.cmpf ogt, %gather3A_724, %scan3A_721 : vector<16xf32>
      %max3A = arith.maximumf %scan3A_721, %gather3A_724 : vector<16xf32>
      %select_n3A_725 = arith.select %gt3A, %broadcast_in_dim3A_723, %scan3A_722 : vector<16xi1>, vector<16xi32>
      scf.yield %max3A, %select_n3A_725 : vector<16xf32>, vector<16xi32>
    }
    %scan3A_293 = arith.constant 92 : i32
    %scan3A_294 = arith.constant 0 : i32
    %scan3A_295 = arith.constant 92 : i32
    %scan3A_296 = arith.addi %scan3A_294, %scan3A_295 : i32
    %scan3A_297 = arith.constant 1 : i32
    %scan3A_298 = scf.for %scan3A_720 = %scan3A_294 to %scan3A_296 step %scan3A_297 iter_args(%scan3A_721 = %broadcast_in_dim3A_19) -> (vector<16xf32>)  : i32 {
      %broadcast_in_dim3A_722 = vector.broadcast %scan3A_720 : i32 to vector<16xi32>
      %gather3A_723 = tpu.vector_load_idx %arg7[%add3A_283, %broadcast_in_dim3A_722] : memref<48x92xf32, #tpu.memory_space<vmem>>[vector<16xi32>, vector<16xi32>], vector<16xf32>,
      %sub3A_724 = arith.subf %gather3A_723, %scan3A_292#0 : vector<16xf32>
      %exp3A = math.exp %sub3A_724 : vector<16xf32>
      %add3A_725 = arith.addf %scan3A_721, %exp3A : vector<16xf32>
      scf.yield %add3A_725 : vector<16xf32>
    }
    %scan3A_299 = arith.constant 92 : i32
    %bitcast3A_300 = vector.bitcast %scan3A_298 : vector<16xf32> to vector<16xi32>
    %broadcast_in_dim3A_301 = arith.constant 23 : i32
    %broadcast_in_dim3A_302 = vector.broadcast %broadcast_in_dim3A_301 : i32 to vector<16xi32>
    %shift_right_arithmetic3A_303 = arith.shrsi %bitcast3A_300, %broadcast_in_dim3A_302 : vector<16xi32>
    %broadcast_in_dim3A_304 = arith.constant 127 : i32
    %broadcast_in_dim3A_305 = vector.broadcast %broadcast_in_dim3A_304 : i32 to vector<16xi32>
    %sub3A_306 = arith.subi %shift_right_arithmetic3A_303, %broadcast_in_dim3A_305 : vector<16xi32>
    %broadcast_in_dim3A_307 = arith.constant 8388607 : i32
    %broadcast_in_dim3A_308 = vector.broadcast %broadcast_in_dim3A_307 : i32 to vector<16xi32>
    %and3A_309 = arith.andi %bitcast3A_300, %broadcast_in_dim3A_308 : vector<16xi32>
    %broadcast_in_dim3A_310 = arith.constant 1065353216 : i32
    %broadcast_in_dim3A_311 = vector.broadcast %broadcast_in_dim3A_310 : i32 to vector<16xi32>
    %or3A_312 = arith.ori %and3A_309, %broadcast_in_dim3A_311 : vector<16xi32>
    %bitcast3A_313 = vector.bitcast %or3A_312 : vector<16xi32> to vector<16xf32>
    %broadcast_in_dim3A_314 = arith.constant 1.000000e+00 : f32
    %broadcast_in_dim3A_315 = vector.broadcast %broadcast_in_dim3A_314 : f32 to vector<16xf32>
    %sub3A_316 = arith.subf %bitcast3A_313, %broadcast_in_dim3A_315 : vector<16xf32>
    %broadcast_in_dim3A_317 = arith.constant 0.0145986406 : f32
    %broadcast_in_dim3A_318 = vector.broadcast %broadcast_in_dim3A_317 : f32 to vector<16xf32>
    %mul3A_319 = arith.mulf %broadcast_in_dim3A_318, %sub3A_316 : vector<16xf32>
    %broadcast_in_dim3A_320 = arith.constant -0.0759208128 : f32
    %broadcast_in_dim3A_321 = vector.broadcast %broadcast_in_dim3A_320 : f32 to vector<16xf32>
    %add3A_322 = arith.addf %mul3A_319, %broadcast_in_dim3A_321 : vector<16xf32>
    %mul3A_323 = arith.mulf %add3A_322, %sub3A_316 : vector<16xf32>
    %broadcast_in_dim3A_324 = arith.constant 0.188652277 : f32
    %broadcast_in_dim3A_325 = vector.broadcast %broadcast_in_dim3A_324 : f32 to vector<16xf32>
    %add3A_326 = arith.addf %mul3A_323, %broadcast_in_dim3A_325 : vector<16xf32>
    %mul3A_327 = arith.mulf %add3A_326, %sub3A_316 : vector<16xf32>
    %broadcast_in_dim3A_328 = arith.constant -0.321482956 : f32
    %broadcast_in_dim3A_329 = vector.broadcast %broadcast_in_dim3A_328 : f32 to vector<16xf32>
    %add3A_330 = arith.addf %mul3A_327, %broadcast_in_dim3A_329 : vector<16xf32>
    %mul3A_331 = arith.mulf %add3A_330, %sub3A_316 : vector<16xf32>
    %broadcast_in_dim3A_332 = arith.constant 0.47172153 : f32
    %broadcast_in_dim3A_333 = vector.broadcast %broadcast_in_dim3A_332 : f32 to vector<16xf32>
    %add3A_334 = arith.addf %mul3A_331, %broadcast_in_dim3A_333 : vector<16xf32>
    %mul3A_335 = arith.mulf %add3A_334, %sub3A_316 : vector<16xf32>
    %broadcast_in_dim3A_336 = arith.constant -0.720202565 : f32
    %broadcast_in_dim3A_337 = vector.broadcast %broadcast_in_dim3A_336 : f32 to vector<16xf32>
    %add3A_338 = arith.addf %mul3A_335, %broadcast_in_dim3A_337 : vector<16xf32>
    %mul3A_339 = arith.mulf %add3A_338, %sub3A_316 : vector<16xf32>
    %broadcast_in_dim3A_340 = arith.constant 1.44263363 : f32
    %broadcast_in_dim3A_341 = vector.broadcast %broadcast_in_dim3A_340 : f32 to vector<16xf32>
    %add3A_342 = arith.addf %mul3A_339, %broadcast_in_dim3A_341 : vector<16xf32>
    %mul3A_343 = arith.mulf %add3A_342, %sub3A_316 : vector<16xf32>
    %broadcast_in_dim3A_344 = arith.constant 8.12117207E-7 : f32
    %broadcast_in_dim3A_345 = vector.broadcast %broadcast_in_dim3A_344 : f32 to vector<16xf32>
    %add3A_346 = arith.addf %mul3A_343, %broadcast_in_dim3A_345 : vector<16xf32>
    %convert_element_type3A_347 = arith.sitofp %sub3A_306 : vector<16xi32> to vector<16xf32>
    %add3A_348 = arith.addf %convert_element_type3A_347, %add3A_346 : vector<16xf32>
    %broadcast_in_dim3A_349 = arith.constant 0.693147182 : f32
    %broadcast_in_dim3A_350 = vector.broadcast %broadcast_in_dim3A_349 : f32 to vector<16xf32>
    %mul3A_351 = arith.mulf %add3A_348, %broadcast_in_dim3A_350 : vector<16xf32>
    %add3A_352 = arith.addf %mul3A_351, %scan3A_292#0 : vector<16xf32>
    %broadcast_in_dim3A_353 = arith.constant 4 : i32
    %broadcast_in_dim3A_354 = vector.broadcast %broadcast_in_dim3A_353 : i32 to vector<16xi32>
    %gather3A_355 = tpu.vector_load_idx %arg9[%select_n3A_268, %broadcast_in_dim3A_354] : memref<40x5xf32, #tpu.memory_space<vmem>>[vector<16xi32>, vector<16xi32>], vector<16xf32>,
    %convert_element_type3A_356 = arith.fptosi %gather3A_355 : vector<16xf32> to vector<16xi32>
    %gather3A_357 = tpu.vector_load_idx %arg7[%add3A_283, %convert_element_type3A_356] : memref<48x92xf32, #tpu.memory_space<vmem>>[vector<16xi32>, vector<16xi32>], vector<16xf32>,
    %broadcast_in_dim3A_358 = arith.constant 91 : i32
    %broadcast_in_dim3A_359 = vector.broadcast %broadcast_in_dim3A_358 : i32 to vector<16xi32>
    %gather3A_360 = tpu.vector_load_idx %arg7[%add3A_283, %broadcast_in_dim3A_359] : memref<48x92xf32, #tpu.memory_space<vmem>>[vector<16xi32>, vector<16xi32>], vector<16xf32>,
    %broadcast_in_dim3A_361 = arith.constant 91 : i32
    %broadcast_in_dim3A_362 = vector.broadcast %broadcast_in_dim3A_361 : i32 to vector<16xi32>
    %eq3A_363 = arith.cmpi eq, %convert_element_type3A_356, %broadcast_in_dim3A_362 : vector<16xi32>
    %broadcast_in_dim3A_364 = arith.constant 1.000000e-01 : f32
    %broadcast_in_dim3A_365 = vector.broadcast %broadcast_in_dim3A_364 : f32 to vector<16xf32>
    %broadcast_in_dim3A_366 = arith.constant 1.000000e+00 : f32
    %broadcast_in_dim3A_367 = vector.broadcast %broadcast_in_dim3A_366 : f32 to vector<16xf32>
    %select_n3A_368 = arith.select %eq3A_363, %broadcast_in_dim3A_365, %broadcast_in_dim3A_367 : vector<16xi1>, vector<16xf32>
    %sub3A_369 = arith.subf %add3A_352, %gather3A_357 : vector<16xf32>
    %mul3A_370 = arith.mulf %select_n3A_368, %sub3A_369 : vector<16xf32>
    %broadcast_in_dim3A_371 = arith.constant 1.000000e-01 : f32
    %broadcast_in_dim3A_372 = vector.broadcast %broadcast_in_dim3A_371 : f32 to vector<16xf32>
    %sub3A_373 = arith.subf %add3A_352, %gather3A_360 : vector<16xf32>
    %mul3A_374 = arith.mulf %broadcast_in_dim3A_372, %sub3A_373 : vector<16xf32>
    %sub3A_375 = arith.subf %mul3A_370, %mul3A_374 : vector<16xf32>
    %select_n3A_376 = arith.select %lt3A_262, %sub3A_375, %broadcast_in_dim3A_19 : vector<16xi1>, vector<16xf32>
    %add3A_377 = arith.addf %add3A_251, %select_n3A_376 : vector<16xf32>
    %select_n3A_378 = arith.select %lt3A_262, %select_n3A_368, %broadcast_in_dim3A_19 : vector<16xi1>, vector<16xf32>
    %add3A_379 = arith.addf %add3A_253, %select_n3A_378 : vector<16xf32>
    %eq3A_380 = arith.cmpi eq, %scan3A_292#1, %convert_element_type3A_356 : vector<16xi32>
    %and3A_381 = arith.andi %lt3A_262, %eq3A_380 : vector<16xi1>
    %broadcast_in_dim3A_382 = arith.constant 1.000000e+00 : f32
    %broadcast_in_dim3A_383 = vector.broadcast %broadcast_in_dim3A_382 : f32 to vector<16xf32>
    %select_n3A_384 = arith.select %and3A_381, %broadcast_in_dim3A_383, %broadcast_in_dim3A_19 : vector<16xi1>, vector<16xf32>
    %add3A_385 = arith.addf %add3A_259, %select_n3A_384 : vector<16xf32>
    %broadcast_in_dim3A_386 = arith.constant 0.000000e+00 : f32
    %broadcast_in_dim3A_387 = vector.broadcast %broadcast_in_dim3A_386 : f32 to vector<16xf32>
    %broadcast_in_dim3A_388 = arith.constant 0 : i32
    %broadcast_in_dim3A_389 = vector.broadcast %broadcast_in_dim3A_388 : i32 to vector<16xi32>
    %add3A_390 = arith.addi %broadcast_in_dim3A_389, %iota3A : vector<16xi32>
    %broadcast_in_dim3A_391 = arith.constant 2 : i32
    %broadcast_in_dim3A_392 = vector.broadcast %broadcast_in_dim3A_391 : i32 to vector<16xi32>
    %shift_right_arithmetic3A_393 = arith.shrsi %add3A_390, %broadcast_in_dim3A_392 : vector<16xi32>
    %broadcast_in_dim3A_394 = arith.constant 3 : i32
    %broadcast_in_dim3A_395 = vector.broadcast %broadcast_in_dim3A_394 : i32 to vector<16xi32>
    %and3A_396 = arith.andi %add3A_390, %broadcast_in_dim3A_395 : vector<16xi32>
    %broadcast_in_dim3A_397 = arith.constant 4 : i32
    %broadcast_in_dim3A_398 = vector.broadcast %broadcast_in_dim3A_397 : i32 to vector<16xi32>
    %broadcast_in_dim3A_399 = arith.constant 0 : i32
    %broadcast_in_dim3A_400 = vector.broadcast %broadcast_in_dim3A_399 : i32 to vector<16xi32>
    %broadcast_in_dim3A_401 = arith.constant 20 : i32
    %broadcast_in_dim3A_402 = vector.broadcast %broadcast_in_dim3A_401 : i32 to vector<16xi32>
    %ge3A_403 = arith.cmpi sge, %shift_right_arithmetic3A_393, %broadcast_in_dim3A_402 : vector<16xi32>
    %broadcast_in_dim3A_404 = arith.constant 1 : i32
    %broadcast_in_dim3A_405 = vector.broadcast %broadcast_in_dim3A_404 : i32 to vector<16xi32>
    %broadcast_in_dim3A_406 = arith.constant 0 : i32
    %broadcast_in_dim3A_407 = vector.broadcast %broadcast_in_dim3A_406 : i32 to vector<16xi32>
    %select_n3A_408 = arith.select %ge3A_403, %broadcast_in_dim3A_405, %broadcast_in_dim3A_407 : vector<16xi1>, vector<16xi32>
    %add3A_409 = arith.addi %broadcast_in_dim3A_400, %select_n3A_408 : vector<16xi32>
    %mul3A_410 = arith.muli %broadcast_in_dim3A_398, %add3A_409 : vector<16xi32>
    %add3A_411 = arith.addi %shift_right_arithmetic3A_393, %mul3A_410 : vector<16xi32>
    %gather3A_412 = tpu.vector_load_idx %arg8[%add3A_411, %and3A_396] : memref<48x4xf32, #tpu.memory_space<vmem>>[vector<16xi32>, vector<16xi32>], vector<16xf32>,
    %gather3A_413 = tpu.vector_load_idx %arg9[%shift_right_arithmetic3A_393, %and3A_396] : memref<40x5xf32, #tpu.memory_space<vmem>>[vector<16xi32>, vector<16xi32>], vector<16xf32>,
    %sub3A_414 = arith.subf %gather3A_412, %gather3A_413 : vector<16xf32>
    %abs3A = math.absf %sub3A_414 : vector<16xf32>
    %add3A_415 = arith.addf %broadcast_in_dim3A_387, %abs3A : vector<16xf32>
    %broadcast_in_dim3A_416 = arith.constant 16 : i32
    %broadcast_in_dim3A_417 = vector.broadcast %broadcast_in_dim3A_416 : i32 to vector<16xi32>
    %add3A_418 = arith.addi %broadcast_in_dim3A_417, %iota3A : vector<16xi32>
    %broadcast_in_dim3A_419 = arith.constant 2 : i32
    %broadcast_in_dim3A_420 = vector.broadcast %broadcast_in_dim3A_419 : i32 to vector<16xi32>
    %shift_right_arithmetic3A_421 = arith.shrsi %add3A_418, %broadcast_in_dim3A_420 : vector<16xi32>
    %broadcast_in_dim3A_422 = arith.constant 3 : i32
    %broadcast_in_dim3A_423 = vector.broadcast %broadcast_in_dim3A_422 : i32 to vector<16xi32>
    %and3A_424 = arith.andi %add3A_418, %broadcast_in_dim3A_423 : vector<16xi32>
    %broadcast_in_dim3A_425 = arith.constant 4 : i32
    %broadcast_in_dim3A_426 = vector.broadcast %broadcast_in_dim3A_425 : i32 to vector<16xi32>
    %broadcast_in_dim3A_427 = arith.constant 0 : i32
    %broadcast_in_dim3A_428 = vector.broadcast %broadcast_in_dim3A_427 : i32 to vector<16xi32>
    %broadcast_in_dim3A_429 = arith.constant 20 : i32
    %broadcast_in_dim3A_430 = vector.broadcast %broadcast_in_dim3A_429 : i32 to vector<16xi32>
    %ge3A_431 = arith.cmpi sge, %shift_right_arithmetic3A_421, %broadcast_in_dim3A_430 : vector<16xi32>
    %broadcast_in_dim3A_432 = arith.constant 1 : i32
    %broadcast_in_dim3A_433 = vector.broadcast %broadcast_in_dim3A_432 : i32 to vector<16xi32>
    %broadcast_in_dim3A_434 = arith.constant 0 : i32
    %broadcast_in_dim3A_435 = vector.broadcast %broadcast_in_dim3A_434 : i32 to vector<16xi32>
    %select_n3A_436 = arith.select %ge3A_431, %broadcast_in_dim3A_433, %broadcast_in_dim3A_435 : vector<16xi1>, vector<16xi32>
    %add3A_437 = arith.addi %broadcast_in_dim3A_428, %select_n3A_436 : vector<16xi32>
    %mul3A_438 = arith.muli %broadcast_in_dim3A_426, %add3A_437 : vector<16xi32>
    %add3A_439 = arith.addi %shift_right_arithmetic3A_421, %mul3A_438 : vector<16xi32>
    %gather3A_440 = tpu.vector_load_idx %arg8[%add3A_439, %and3A_424] : memref<48x4xf32, #tpu.memory_space<vmem>>[vector<16xi32>, vector<16xi32>], vector<16xf32>,
    %gather3A_441 = tpu.vector_load_idx %arg9[%shift_right_arithmetic3A_421, %and3A_424] : memref<40x5xf32, #tpu.memory_space<vmem>>[vector<16xi32>, vector<16xi32>], vector<16xf32>,
    %sub3A_442 = arith.subf %gather3A_440, %gather3A_441 : vector<16xf32>
    %abs3A_443 = math.absf %sub3A_442 : vector<16xf32>
    %add3A_444 = arith.addf %add3A_415, %abs3A_443 : vector<16xf32>
    %broadcast_in_dim3A_445 = arith.constant 32 : i32
    %broadcast_in_dim3A_446 = vector.broadcast %broadcast_in_dim3A_445 : i32 to vector<16xi32>
    %add3A_447 = arith.addi %broadcast_in_dim3A_446, %iota3A : vector<16xi32>
    %broadcast_in_dim3A_448 = arith.constant 2 : i32
    %broadcast_in_dim3A_449 = vector.broadcast %broadcast_in_dim3A_448 : i32 to vector<16xi32>
    %shift_right_arithmetic3A_450 = arith.shrsi %add3A_447, %broadcast_in_dim3A_449 : vector<16xi32>
    %broadcast_in_dim3A_451 = arith.constant 3 : i32
    %broadcast_in_dim3A_452 = vector.broadcast %broadcast_in_dim3A_451 : i32 to vector<16xi32>
    %and3A_453 = arith.andi %add3A_447, %broadcast_in_dim3A_452 : vector<16xi32>
    %broadcast_in_dim3A_454 = arith.constant 4 : i32
    %broadcast_in_dim3A_455 = vector.broadcast %broadcast_in_dim3A_454 : i32 to vector<16xi32>
    %broadcast_in_dim3A_456 = arith.constant 0 : i32
    %broadcast_in_dim3A_457 = vector.broadcast %broadcast_in_dim3A_456 : i32 to vector<16xi32>
    %broadcast_in_dim3A_458 = arith.constant 20 : i32
    %broadcast_in_dim3A_459 = vector.broadcast %broadcast_in_dim3A_458 : i32 to vector<16xi32>
    %ge3A_460 = arith.cmpi sge, %shift_right_arithmetic3A_450, %broadcast_in_dim3A_459 : vector<16xi32>
    %broadcast_in_dim3A_461 = arith.constant 1 : i32
    %broadcast_in_dim3A_462 = vector.broadcast %broadcast_in_dim3A_461 : i32 to vector<16xi32>
    %broadcast_in_dim3A_463 = arith.constant 0 : i32
    %broadcast_in_dim3A_464 = vector.broadcast %broadcast_in_dim3A_463 : i32 to vector<16xi32>
    %select_n3A_465 = arith.select %ge3A_460, %broadcast_in_dim3A_462, %broadcast_in_dim3A_464 : vector<16xi1>, vector<16xi32>
    %add3A_466 = arith.addi %broadcast_in_dim3A_457, %select_n3A_465 : vector<16xi32>
    %mul3A_467 = arith.muli %broadcast_in_dim3A_455, %add3A_466 : vector<16xi32>
    %add3A_468 = arith.addi %shift_right_arithmetic3A_450, %mul3A_467 : vector<16xi32>
    %gather3A_469 = tpu.vector_load_idx %arg8[%add3A_468, %and3A_453] : memref<48x4xf32, #tpu.memory_space<vmem>>[vector<16xi32>, vector<16xi32>], vector<16xf32>,
    %gather3A_470 = tpu.vector_load_idx %arg9[%shift_right_arithmetic3A_450, %and3A_453] : memref<40x5xf32, #tpu.memory_space<vmem>>[vector<16xi32>, vector<16xi32>], vector<16xf32>,
    %sub3A_471 = arith.subf %gather3A_469, %gather3A_470 : vector<16xf32>
    %abs3A_472 = math.absf %sub3A_471 : vector<16xf32>
    %add3A_473 = arith.addf %add3A_444, %abs3A_472 : vector<16xf32>
    %broadcast_in_dim3A_474 = arith.constant 48 : i32
    %broadcast_in_dim3A_475 = vector.broadcast %broadcast_in_dim3A_474 : i32 to vector<16xi32>
    %add3A_476 = arith.addi %broadcast_in_dim3A_475, %iota3A : vector<16xi32>
    %broadcast_in_dim3A_477 = arith.constant 2 : i32
    %broadcast_in_dim3A_478 = vector.broadcast %broadcast_in_dim3A_477 : i32 to vector<16xi32>
    %shift_right_arithmetic3A_479 = arith.shrsi %add3A_476, %broadcast_in_dim3A_478 : vector<16xi32>
    %broadcast_in_dim3A_480 = arith.constant 3 : i32
    %broadcast_in_dim3A_481 = vector.broadcast %broadcast_in_dim3A_480 : i32 to vector<16xi32>
    %and3A_482 = arith.andi %add3A_476, %broadcast_in_dim3A_481 : vector<16xi32>
    %broadcast_in_dim3A_483 = arith.constant 4 : i32
    %broadcast_in_dim3A_484 = vector.broadcast %broadcast_in_dim3A_483 : i32 to vector<16xi32>
    %broadcast_in_dim3A_485 = arith.constant 0 : i32
    %broadcast_in_dim3A_486 = vector.broadcast %broadcast_in_dim3A_485 : i32 to vector<16xi32>
    %broadcast_in_dim3A_487 = arith.constant 20 : i32
    %broadcast_in_dim3A_488 = vector.broadcast %broadcast_in_dim3A_487 : i32 to vector<16xi32>
    %ge3A_489 = arith.cmpi sge, %shift_right_arithmetic3A_479, %broadcast_in_dim3A_488 : vector<16xi32>
    %broadcast_in_dim3A_490 = arith.constant 1 : i32
    %broadcast_in_dim3A_491 = vector.broadcast %broadcast_in_dim3A_490 : i32 to vector<16xi32>
    %broadcast_in_dim3A_492 = arith.constant 0 : i32
    %broadcast_in_dim3A_493 = vector.broadcast %broadcast_in_dim3A_492 : i32 to vector<16xi32>
    %select_n3A_494 = arith.select %ge3A_489, %broadcast_in_dim3A_491, %broadcast_in_dim3A_493 : vector<16xi1>, vector<16xi32>
    %add3A_495 = arith.addi %broadcast_in_dim3A_486, %select_n3A_494 : vector<16xi32>
    %mul3A_496 = arith.muli %broadcast_in_dim3A_484, %add3A_495 : vector<16xi32>
    %add3A_497 = arith.addi %shift_right_arithmetic3A_479, %mul3A_496 : vector<16xi32>
    %gather3A_498 = tpu.vector_load_idx %arg8[%add3A_497, %and3A_482] : memref<48x4xf32, #tpu.memory_space<vmem>>[vector<16xi32>, vector<16xi32>], vector<16xf32>,
    %gather3A_499 = tpu.vector_load_idx %arg9[%shift_right_arithmetic3A_479, %and3A_482] : memref<40x5xf32, #tpu.memory_space<vmem>>[vector<16xi32>, vector<16xi32>], vector<16xf32>,
    %sub3A_500 = arith.subf %gather3A_498, %gather3A_499 : vector<16xf32>
    %abs3A_501 = math.absf %sub3A_500 : vector<16xf32>
    %add3A_502 = arith.addf %add3A_473, %abs3A_501 : vector<16xf32>
    %broadcast_in_dim3A_503 = arith.constant 64 : i32
    %broadcast_in_dim3A_504 = vector.broadcast %broadcast_in_dim3A_503 : i32 to vector<16xi32>
    %add3A_505 = arith.addi %broadcast_in_dim3A_504, %iota3A : vector<16xi32>
    %broadcast_in_dim3A_506 = arith.constant 2 : i32
    %broadcast_in_dim3A_507 = vector.broadcast %broadcast_in_dim3A_506 : i32 to vector<16xi32>
    %shift_right_arithmetic3A_508 = arith.shrsi %add3A_505, %broadcast_in_dim3A_507 : vector<16xi32>
    %broadcast_in_dim3A_509 = arith.constant 3 : i32
    %broadcast_in_dim3A_510 = vector.broadcast %broadcast_in_dim3A_509 : i32 to vector<16xi32>
    %and3A_511 = arith.andi %add3A_505, %broadcast_in_dim3A_510 : vector<16xi32>
    %broadcast_in_dim3A_512 = arith.constant 4 : i32
    %broadcast_in_dim3A_513 = vector.broadcast %broadcast_in_dim3A_512 : i32 to vector<16xi32>
    %broadcast_in_dim3A_514 = arith.constant 0 : i32
    %broadcast_in_dim3A_515 = vector.broadcast %broadcast_in_dim3A_514 : i32 to vector<16xi32>
    %broadcast_in_dim3A_516 = arith.constant 20 : i32
    %broadcast_in_dim3A_517 = vector.broadcast %broadcast_in_dim3A_516 : i32 to vector<16xi32>
    %ge3A_518 = arith.cmpi sge, %shift_right_arithmetic3A_508, %broadcast_in_dim3A_517 : vector<16xi32>
    %broadcast_in_dim3A_519 = arith.constant 1 : i32
    %broadcast_in_dim3A_520 = vector.broadcast %broadcast_in_dim3A_519 : i32 to vector<16xi32>
    %broadcast_in_dim3A_521 = arith.constant 0 : i32
    %broadcast_in_dim3A_522 = vector.broadcast %broadcast_in_dim3A_521 : i32 to vector<16xi32>
    %select_n3A_523 = arith.select %ge3A_518, %broadcast_in_dim3A_520, %broadcast_in_dim3A_522 : vector<16xi1>, vector<16xi32>
    %add3A_524 = arith.addi %broadcast_in_dim3A_515, %select_n3A_523 : vector<16xi32>
    %mul3A_525 = arith.muli %broadcast_in_dim3A_513, %add3A_524 : vector<16xi32>
    %add3A_526 = arith.addi %shift_right_arithmetic3A_508, %mul3A_525 : vector<16xi32>
    %gather3A_527 = tpu.vector_load_idx %arg8[%add3A_526, %and3A_511] : memref<48x4xf32, #tpu.memory_space<vmem>>[vector<16xi32>, vector<16xi32>], vector<16xf32>,
    %gather3A_528 = tpu.vector_load_idx %arg9[%shift_right_arithmetic3A_508, %and3A_511] : memref<40x5xf32, #tpu.memory_space<vmem>>[vector<16xi32>, vector<16xi32>], vector<16xf32>,
    %sub3A_529 = arith.subf %gather3A_527, %gather3A_528 : vector<16xf32>
    %abs3A_530 = math.absf %sub3A_529 : vector<16xf32>
    %add3A_531 = arith.addf %add3A_502, %abs3A_530 : vector<16xf32>
    %broadcast_in_dim3A_532 = arith.constant 80 : i32
    %broadcast_in_dim3A_533 = vector.broadcast %broadcast_in_dim3A_532 : i32 to vector<16xi32>
    %add3A_534 = arith.addi %broadcast_in_dim3A_533, %iota3A : vector<16xi32>
    %broadcast_in_dim3A_535 = arith.constant 2 : i32
    %broadcast_in_dim3A_536 = vector.broadcast %broadcast_in_dim3A_535 : i32 to vector<16xi32>
    %shift_right_arithmetic3A_537 = arith.shrsi %add3A_534, %broadcast_in_dim3A_536 : vector<16xi32>
    %broadcast_in_dim3A_538 = arith.constant 3 : i32
    %broadcast_in_dim3A_539 = vector.broadcast %broadcast_in_dim3A_538 : i32 to vector<16xi32>
    %and3A_540 = arith.andi %add3A_534, %broadcast_in_dim3A_539 : vector<16xi32>
    %broadcast_in_dim3A_541 = arith.constant 4 : i32
    %broadcast_in_dim3A_542 = vector.broadcast %broadcast_in_dim3A_541 : i32 to vector<16xi32>
    %broadcast_in_dim3A_543 = arith.constant 0 : i32
    %broadcast_in_dim3A_544 = vector.broadcast %broadcast_in_dim3A_543 : i32 to vector<16xi32>
    %broadcast_in_dim3A_545 = arith.constant 20 : i32
    %broadcast_in_dim3A_546 = vector.broadcast %broadcast_in_dim3A_545 : i32 to vector<16xi32>
    %ge3A_547 = arith.cmpi sge, %shift_right_arithmetic3A_537, %broadcast_in_dim3A_546 : vector<16xi32>
    %broadcast_in_dim3A_548 = arith.constant 1 : i32
    %broadcast_in_dim3A_549 = vector.broadcast %broadcast_in_dim3A_548 : i32 to vector<16xi32>
    %broadcast_in_dim3A_550 = arith.constant 0 : i32
    %broadcast_in_dim3A_551 = vector.broadcast %broadcast_in_dim3A_550 : i32 to vector<16xi32>
    %select_n3A_552 = arith.select %ge3A_547, %broadcast_in_dim3A_549, %broadcast_in_dim3A_551 : vector<16xi1>, vector<16xi32>
    %add3A_553 = arith.addi %broadcast_in_dim3A_544, %select_n3A_552 : vector<16xi32>
    %mul3A_554 = arith.muli %broadcast_in_dim3A_542, %add3A_553 : vector<16xi32>
    %add3A_555 = arith.addi %shift_right_arithmetic3A_537, %mul3A_554 : vector<16xi32>
    %gather3A_556 = tpu.vector_load_idx %arg8[%add3A_555, %and3A_540] : memref<48x4xf32, #tpu.memory_space<vmem>>[vector<16xi32>, vector<16xi32>], vector<16xf32>,
    %gather3A_557 = tpu.vector_load_idx %arg9[%shift_right_arithmetic3A_537, %and3A_540] : memref<40x5xf32, #tpu.memory_space<vmem>>[vector<16xi32>, vector<16xi32>], vector<16xf32>,
    %sub3A_558 = arith.subf %gather3A_556, %gather3A_557 : vector<16xf32>
    %abs3A_559 = math.absf %sub3A_558 : vector<16xf32>
    %add3A_560 = arith.addf %add3A_531, %abs3A_559 : vector<16xf32>
    %broadcast_in_dim3A_561 = arith.constant 96 : i32
    %broadcast_in_dim3A_562 = vector.broadcast %broadcast_in_dim3A_561 : i32 to vector<16xi32>
    %add3A_563 = arith.addi %broadcast_in_dim3A_562, %iota3A : vector<16xi32>
    %broadcast_in_dim3A_564 = arith.constant 2 : i32
    %broadcast_in_dim3A_565 = vector.broadcast %broadcast_in_dim3A_564 : i32 to vector<16xi32>
    %shift_right_arithmetic3A_566 = arith.shrsi %add3A_563, %broadcast_in_dim3A_565 : vector<16xi32>
    %broadcast_in_dim3A_567 = arith.constant 3 : i32
    %broadcast_in_dim3A_568 = vector.broadcast %broadcast_in_dim3A_567 : i32 to vector<16xi32>
    %and3A_569 = arith.andi %add3A_563, %broadcast_in_dim3A_568 : vector<16xi32>
    %broadcast_in_dim3A_570 = arith.constant 4 : i32
    %broadcast_in_dim3A_571 = vector.broadcast %broadcast_in_dim3A_570 : i32 to vector<16xi32>
    %broadcast_in_dim3A_572 = arith.constant 0 : i32
    %broadcast_in_dim3A_573 = vector.broadcast %broadcast_in_dim3A_572 : i32 to vector<16xi32>
    %broadcast_in_dim3A_574 = arith.constant 20 : i32
    %broadcast_in_dim3A_575 = vector.broadcast %broadcast_in_dim3A_574 : i32 to vector<16xi32>
    %ge3A_576 = arith.cmpi sge, %shift_right_arithmetic3A_566, %broadcast_in_dim3A_575 : vector<16xi32>
    %broadcast_in_dim3A_577 = arith.constant 1 : i32
    %broadcast_in_dim3A_578 = vector.broadcast %broadcast_in_dim3A_577 : i32 to vector<16xi32>
    %broadcast_in_dim3A_579 = arith.constant 0 : i32
    %broadcast_in_dim3A_580 = vector.broadcast %broadcast_in_dim3A_579 : i32 to vector<16xi32>
    %select_n3A_581 = arith.select %ge3A_576, %broadcast_in_dim3A_578, %broadcast_in_dim3A_580 : vector<16xi1>, vector<16xi32>
    %add3A_582 = arith.addi %broadcast_in_dim3A_573, %select_n3A_581 : vector<16xi32>
    %mul3A_583 = arith.muli %broadcast_in_dim3A_571, %add3A_582 : vector<16xi32>
    %add3A_584 = arith.addi %shift_right_arithmetic3A_566, %mul3A_583 : vector<16xi32>
    %gather3A_585 = tpu.vector_load_idx %arg8[%add3A_584, %and3A_569] : memref<48x4xf32, #tpu.memory_space<vmem>>[vector<16xi32>, vector<16xi32>], vector<16xf32>,
    %gather3A_586 = tpu.vector_load_idx %arg9[%shift_right_arithmetic3A_566, %and3A_569] : memref<40x5xf32, #tpu.memory_space<vmem>>[vector<16xi32>, vector<16xi32>], vector<16xf32>,
    %sub3A_587 = arith.subf %gather3A_585, %gather3A_586 : vector<16xf32>
    %abs3A_588 = math.absf %sub3A_587 : vector<16xf32>
    %add3A_589 = arith.addf %add3A_560, %abs3A_588 : vector<16xf32>
    %broadcast_in_dim3A_590 = arith.constant 112 : i32
    %broadcast_in_dim3A_591 = vector.broadcast %broadcast_in_dim3A_590 : i32 to vector<16xi32>
    %add3A_592 = arith.addi %broadcast_in_dim3A_591, %iota3A : vector<16xi32>
    %broadcast_in_dim3A_593 = arith.constant 2 : i32
    %broadcast_in_dim3A_594 = vector.broadcast %broadcast_in_dim3A_593 : i32 to vector<16xi32>
    %shift_right_arithmetic3A_595 = arith.shrsi %add3A_592, %broadcast_in_dim3A_594 : vector<16xi32>
    %broadcast_in_dim3A_596 = arith.constant 3 : i32
    %broadcast_in_dim3A_597 = vector.broadcast %broadcast_in_dim3A_596 : i32 to vector<16xi32>
    %and3A_598 = arith.andi %add3A_592, %broadcast_in_dim3A_597 : vector<16xi32>
    %broadcast_in_dim3A_599 = arith.constant 4 : i32
    %broadcast_in_dim3A_600 = vector.broadcast %broadcast_in_dim3A_599 : i32 to vector<16xi32>
    %broadcast_in_dim3A_601 = arith.constant 0 : i32
    %broadcast_in_dim3A_602 = vector.broadcast %broadcast_in_dim3A_601 : i32 to vector<16xi32>
    %broadcast_in_dim3A_603 = arith.constant 20 : i32
    %broadcast_in_dim3A_604 = vector.broadcast %broadcast_in_dim3A_603 : i32 to vector<16xi32>
    %ge3A_605 = arith.cmpi sge, %shift_right_arithmetic3A_595, %broadcast_in_dim3A_604 : vector<16xi32>
    %broadcast_in_dim3A_606 = arith.constant 1 : i32
    %broadcast_in_dim3A_607 = vector.broadcast %broadcast_in_dim3A_606 : i32 to vector<16xi32>
    %broadcast_in_dim3A_608 = arith.constant 0 : i32
    %broadcast_in_dim3A_609 = vector.broadcast %broadcast_in_dim3A_608 : i32 to vector<16xi32>
    %select_n3A_610 = arith.select %ge3A_605, %broadcast_in_dim3A_607, %broadcast_in_dim3A_609 : vector<16xi1>, vector<16xi32>
    %add3A_611 = arith.addi %broadcast_in_dim3A_602, %select_n3A_610 : vector<16xi32>
    %mul3A_612 = arith.muli %broadcast_in_dim3A_600, %add3A_611 : vector<16xi32>
    %add3A_613 = arith.addi %shift_right_arithmetic3A_595, %mul3A_612 : vector<16xi32>
    %gather3A_614 = tpu.vector_load_idx %arg8[%add3A_613, %and3A_598] : memref<48x4xf32, #tpu.memory_space<vmem>>[vector<16xi32>, vector<16xi32>], vector<16xf32>,
    %gather3A_615 = tpu.vector_load_idx %arg9[%shift_right_arithmetic3A_595, %and3A_598] : memref<40x5xf32, #tpu.memory_space<vmem>>[vector<16xi32>, vector<16xi32>], vector<16xf32>,
    %sub3A_616 = arith.subf %gather3A_614, %gather3A_615 : vector<16xf32>
    %abs3A_617 = math.absf %sub3A_616 : vector<16xf32>
    %add3A_618 = arith.addf %add3A_589, %abs3A_617 : vector<16xf32>
    %broadcast_in_dim3A_619 = arith.constant 128 : i32
    %broadcast_in_dim3A_620 = vector.broadcast %broadcast_in_dim3A_619 : i32 to vector<16xi32>
    %add3A_621 = arith.addi %broadcast_in_dim3A_620, %iota3A : vector<16xi32>
    %broadcast_in_dim3A_622 = arith.constant 2 : i32
    %broadcast_in_dim3A_623 = vector.broadcast %broadcast_in_dim3A_622 : i32 to vector<16xi32>
    %shift_right_arithmetic3A_624 = arith.shrsi %add3A_621, %broadcast_in_dim3A_623 : vector<16xi32>
    %broadcast_in_dim3A_625 = arith.constant 3 : i32
    %broadcast_in_dim3A_626 = vector.broadcast %broadcast_in_dim3A_625 : i32 to vector<16xi32>
    %and3A_627 = arith.andi %add3A_621, %broadcast_in_dim3A_626 : vector<16xi32>
    %broadcast_in_dim3A_628 = arith.constant 4 : i32
    %broadcast_in_dim3A_629 = vector.broadcast %broadcast_in_dim3A_628 : i32 to vector<16xi32>
    %broadcast_in_dim3A_630 = arith.constant 0 : i32
    %broadcast_in_dim3A_631 = vector.broadcast %broadcast_in_dim3A_630 : i32 to vector<16xi32>
    %broadcast_in_dim3A_632 = arith.constant 20 : i32
    %broadcast_in_dim3A_633 = vector.broadcast %broadcast_in_dim3A_632 : i32 to vector<16xi32>
    %ge3A_634 = arith.cmpi sge, %shift_right_arithmetic3A_624, %broadcast_in_dim3A_633 : vector<16xi32>
    %broadcast_in_dim3A_635 = arith.constant 1 : i32
    %broadcast_in_dim3A_636 = vector.broadcast %broadcast_in_dim3A_635 : i32 to vector<16xi32>
    %broadcast_in_dim3A_637 = arith.constant 0 : i32
    %broadcast_in_dim3A_638 = vector.broadcast %broadcast_in_dim3A_637 : i32 to vector<16xi32>
    %select_n3A_639 = arith.select %ge3A_634, %broadcast_in_dim3A_636, %broadcast_in_dim3A_638 : vector<16xi1>, vector<16xi32>
    %add3A_640 = arith.addi %broadcast_in_dim3A_631, %select_n3A_639 : vector<16xi32>
    %mul3A_641 = arith.muli %broadcast_in_dim3A_629, %add3A_640 : vector<16xi32>
    %add3A_642 = arith.addi %shift_right_arithmetic3A_624, %mul3A_641 : vector<16xi32>
    %gather3A_643 = tpu.vector_load_idx %arg8[%add3A_642, %and3A_627] : memref<48x4xf32, #tpu.memory_space<vmem>>[vector<16xi32>, vector<16xi32>], vector<16xf32>,
    %gather3A_644 = tpu.vector_load_idx %arg9[%shift_right_arithmetic3A_624, %and3A_627] : memref<40x5xf32, #tpu.memory_space<vmem>>[vector<16xi32>, vector<16xi32>], vector<16xf32>,
    %sub3A_645 = arith.subf %gather3A_643, %gather3A_644 : vector<16xf32>
    %abs3A_646 = math.absf %sub3A_645 : vector<16xf32>
    %add3A_647 = arith.addf %add3A_618, %abs3A_646 : vector<16xf32>
    %broadcast_in_dim3A_648 = arith.constant 144 : i32
    %broadcast_in_dim3A_649 = vector.broadcast %broadcast_in_dim3A_648 : i32 to vector<16xi32>
    %add3A_650 = arith.addi %broadcast_in_dim3A_649, %iota3A : vector<16xi32>
    %broadcast_in_dim3A_651 = arith.constant 2 : i32
    %broadcast_in_dim3A_652 = vector.broadcast %broadcast_in_dim3A_651 : i32 to vector<16xi32>
    %shift_right_arithmetic3A_653 = arith.shrsi %add3A_650, %broadcast_in_dim3A_652 : vector<16xi32>
    %broadcast_in_dim3A_654 = arith.constant 3 : i32
    %broadcast_in_dim3A_655 = vector.broadcast %broadcast_in_dim3A_654 : i32 to vector<16xi32>
    %and3A_656 = arith.andi %add3A_650, %broadcast_in_dim3A_655 : vector<16xi32>
    %broadcast_in_dim3A_657 = arith.constant 4 : i32
    %broadcast_in_dim3A_658 = vector.broadcast %broadcast_in_dim3A_657 : i32 to vector<16xi32>
    %broadcast_in_dim3A_659 = arith.constant 0 : i32
    %broadcast_in_dim3A_660 = vector.broadcast %broadcast_in_dim3A_659 : i32 to vector<16xi32>
    %broadcast_in_dim3A_661 = arith.constant 20 : i32
    %broadcast_in_dim3A_662 = vector.broadcast %broadcast_in_dim3A_661 : i32 to vector<16xi32>
    %ge3A_663 = arith.cmpi sge, %shift_right_arithmetic3A_653, %broadcast_in_dim3A_662 : vector<16xi32>
    %broadcast_in_dim3A_664 = arith.constant 1 : i32
    %broadcast_in_dim3A_665 = vector.broadcast %broadcast_in_dim3A_664 : i32 to vector<16xi32>
    %broadcast_in_dim3A_666 = arith.constant 0 : i32
    %broadcast_in_dim3A_667 = vector.broadcast %broadcast_in_dim3A_666 : i32 to vector<16xi32>
    %select_n3A_668 = arith.select %ge3A_663, %broadcast_in_dim3A_665, %broadcast_in_dim3A_667 : vector<16xi1>, vector<16xi32>
    %add3A_669 = arith.addi %broadcast_in_dim3A_660, %select_n3A_668 : vector<16xi32>
    %mul3A_670 = arith.muli %broadcast_in_dim3A_658, %add3A_669 : vector<16xi32>
    %add3A_671 = arith.addi %shift_right_arithmetic3A_653, %mul3A_670 : vector<16xi32>
    %gather3A_672 = tpu.vector_load_idx %arg8[%add3A_671, %and3A_656] : memref<48x4xf32, #tpu.memory_space<vmem>>[vector<16xi32>, vector<16xi32>], vector<16xf32>,
    %gather3A_673 = tpu.vector_load_idx %arg9[%shift_right_arithmetic3A_653, %and3A_656] : memref<40x5xf32, #tpu.memory_space<vmem>>[vector<16xi32>, vector<16xi32>], vector<16xf32>,
    %sub3A_674 = arith.subf %gather3A_672, %gather3A_673 : vector<16xf32>
    %abs3A_675 = math.absf %sub3A_674 : vector<16xf32>
    %add3A_676 = arith.addf %add3A_647, %abs3A_675 : vector<16xf32>
    %swap3A = arith.constant 0 : i32
    %swap3A_677 = arith.index_cast %swap3A : i32 to index
    %swap3A_678 = arith.constant 0 : index
    %swap3A_679 = tpu.vector_load %arg11[%swap3A_677, %swap3A_678] {strides = array<i32>} : memref<8x16xf32, #tpu.memory_space<vmem>>, vector<16xf32>,
    tpu.vector_store %arg11[%swap3A_677, %swap3A_678], %add3A_377 {strides = array<i32>} : memref<8x16xf32, #tpu.memory_space<vmem>>, vector<16xf32>,
    %swap3A_680 = arith.constant 1 : i32
    %swap3A_681 = arith.index_cast %swap3A_680 : i32 to index
    %swap3A_682 = arith.constant 0 : index
    %swap3A_683 = tpu.vector_load %arg11[%swap3A_681, %swap3A_682] {strides = array<i32>} : memref<8x16xf32, #tpu.memory_space<vmem>>, vector<16xf32>,
    tpu.vector_store %arg11[%swap3A_681, %swap3A_682], %add3A_379 {strides = array<i32>} : memref<8x16xf32, #tpu.memory_space<vmem>>, vector<16xf32>,
    %swap3A_684 = arith.constant 2 : i32
    %swap3A_685 = arith.index_cast %swap3A_684 : i32 to index
    %swap3A_686 = arith.constant 0 : index
    %swap3A_687 = tpu.vector_load %arg11[%swap3A_685, %swap3A_686] {strides = array<i32>} : memref<8x16xf32, #tpu.memory_space<vmem>>, vector<16xf32>,
    tpu.vector_store %arg11[%swap3A_685, %swap3A_686], %add3A_385 {strides = array<i32>} : memref<8x16xf32, #tpu.memory_space<vmem>>, vector<16xf32>,
    %swap3A_688 = arith.constant 3 : i32
    %swap3A_689 = arith.index_cast %swap3A_688 : i32 to index
    %swap3A_690 = arith.constant 0 : index
    %swap3A_691 = tpu.vector_load %arg11[%swap3A_689, %swap3A_690] {strides = array<i32>} : memref<8x16xf32, #tpu.memory_space<vmem>>, vector<16xf32>,
    tpu.vector_store %arg11[%swap3A_689, %swap3A_690], %add3A_676 {strides = array<i32>} : memref<8x16xf32, #tpu.memory_space<vmem>>, vector<16xf32>,
    %broadcast_in_dim3A_692 = arith.constant 0.000000e+00 : f32
    %broadcast_in_dim3A_693 = vector.broadcast %broadcast_in_dim3A_692 : f32 to vector<16xf32>
    %swap3A_694 = arith.constant 4 : i32
    %swap3A_695 = arith.index_cast %swap3A_694 : i32 to index
    %swap3A_696 = arith.constant 0 : index
    %swap3A_697 = tpu.vector_load %arg11[%swap3A_695, %swap3A_696] {strides = array<i32>} : memref<8x16xf32, #tpu.memory_space<vmem>>, vector<16xf32>,
    tpu.vector_store %arg11[%swap3A_695, %swap3A_696], %broadcast_in_dim3A_693 {strides = array<i32>} : memref<8x16xf32, #tpu.memory_space<vmem>>, vector<16xf32>,
    %broadcast_in_dim3A_698 = arith.constant 0.000000e+00 : f32
    %broadcast_in_dim3A_699 = vector.broadcast %broadcast_in_dim3A_698 : f32 to vector<16xf32>
    %swap3A_700 = arith.constant 5 : i32
    %swap3A_701 = arith.index_cast %swap3A_700 : i32 to index
    %swap3A_702 = arith.constant 0 : index
    %swap3A_703 = tpu.vector_load %arg11[%swap3A_701, %swap3A_702] {strides = array<i32>} : memref<8x16xf32, #tpu.memory_space<vmem>>, vector<16xf32>,
    tpu.vector_store %arg11[%swap3A_701, %swap3A_702], %broadcast_in_dim3A_699 {strides = array<i32>} : memref<8x16xf32, #tpu.memory_space<vmem>>, vector<16xf32>,
    %broadcast_in_dim3A_704 = arith.constant 0.000000e+00 : f32
    %broadcast_in_dim3A_705 = vector.broadcast %broadcast_in_dim3A_704 : f32 to vector<16xf32>
    %swap3A_706 = arith.constant 6 : i32
    %swap3A_707 = arith.index_cast %swap3A_706 : i32 to index
    %swap3A_708 = arith.constant 0 : index
    %swap3A_709 = tpu.vector_load %arg11[%swap3A_707, %swap3A_708] {strides = array<i32>} : memref<8x16xf32, #tpu.memory_space<vmem>>, vector<16xf32>,
    tpu.vector_store %arg11[%swap3A_707, %swap3A_708], %broadcast_in_dim3A_705 {strides = array<i32>} : memref<8x16xf32, #tpu.memory_space<vmem>>, vector<16xf32>,
    %broadcast_in_dim3A_710 = arith.constant 0.000000e+00 : f32
    %broadcast_in_dim3A_711 = vector.broadcast %broadcast_in_dim3A_710 : f32 to vector<16xf32>
    %swap3A_712 = arith.constant 7 : i32
    %swap3A_713 = arith.index_cast %swap3A_712 : i32 to index
    %swap3A_714 = arith.constant 0 : index
    %swap3A_715 = tpu.vector_load %arg11[%swap3A_713, %swap3A_714] {strides = array<i32>} : memref<8x16xf32, #tpu.memory_space<vmem>>, vector<16xf32>,
    tpu.vector_store %arg11[%swap3A_713, %swap3A_714], %broadcast_in_dim3A_711 {strides = array<i32>} : memref<8x16xf32, #tpu.memory_space<vmem>>, vector<16xf32>,
    %eq3A_716 = arith.constant 0 : i32
    %eq3A_717 = arith.cmpi eq, %add3A, %eq3A_716 : i32
    %convert_element_type3A_718 = arith.extui %eq3A_717 : i1 to i32
    %cond3A = arith.constant 0 : i32
    %cond3A_719 = arith.cmpi ne, %convert_element_type3A_718, %cond3A : i32
    scf.if %cond3A_719 {
      %broadcast_in_dim3A_720 = arith.constant 0.000000e+00 : f32
      %broadcast_in_dim3A_721 = vector.broadcast %broadcast_in_dim3A_720 : f32 to vector<16xf32>
      %get3A = arith.constant 0 : index
      %get3A_722 = tpu.vector_load %arg10[%get3A] {strides = array<i32>} : memref<64xi32, #tpu.memory_space<vmem>>, vector<16xi32>,
      %convert_element_type3A_723 = arith.sitofp %get3A_722 : vector<16xi32> to vector<16xf32>
      %add3A_724 = arith.addf %broadcast_in_dim3A_721, %convert_element_type3A_723 : vector<16xf32>
      %get3A_725 = arith.constant 16 : index
      %get3A_726 = tpu.vector_load %arg10[%get3A_725] {strides = array<i32>} : memref<64xi32, #tpu.memory_space<vmem>>, vector<16xi32>,
      %convert_element_type3A_727 = arith.sitofp %get3A_726 : vector<16xi32> to vector<16xf32>
      %add3A_728 = arith.addf %add3A_724, %convert_element_type3A_727 : vector<16xf32>
      %get3A_729 = arith.constant 32 : index
      %get3A_730 = tpu.vector_load %arg10[%get3A_729] {strides = array<i32>} : memref<64xi32, #tpu.memory_space<vmem>>, vector<16xi32>,
      %convert_element_type3A_731 = arith.sitofp %get3A_730 : vector<16xi32> to vector<16xf32>
      %add3A_732 = arith.addf %add3A_728, %convert_element_type3A_731 : vector<16xf32>
      %get3A_733 = arith.constant 48 : index
      %get3A_734 = tpu.vector_load %arg10[%get3A_733] {strides = array<i32>} : memref<64xi32, #tpu.memory_space<vmem>>, vector<16xi32>,
      %convert_element_type3A_735 = arith.sitofp %get3A_734 : vector<16xi32> to vector<16xf32>
      %add3A_736 = arith.addf %add3A_732, %convert_element_type3A_735 : vector<16xf32>
      %swap3A_737 = arith.constant 4 : i32
      %swap3A_738 = arith.index_cast %swap3A_737 : i32 to index
      %swap3A_739 = arith.constant 0 : index
      %swap3A_740 = tpu.vector_load %arg11[%swap3A_738, %swap3A_739] {strides = array<i32>} : memref<8x16xf32, #tpu.memory_space<vmem>>, vector<16xf32>,
      tpu.vector_store %arg11[%swap3A_738, %swap3A_739], %add3A_736 {strides = array<i32>} : memref<8x16xf32, #tpu.memory_space<vmem>>, vector<16xf32>,
    } else {
    }
    "tpu.region"() ({
      %run_scoped3A = tpu.sem_alloc : memref<!tpu.dma_semaphore, #tpu.memory_space<semaphore_mem>>
      %dma_start3A = arith.constant 0 : i32
      %dma_start3A_720 = arith.constant 0 : i32
      %dma_start3A_721 = tpu.memref_slice %arg6[%add3A, %dma_start3A, %dma_start3A_720] : memref<32x8x16xf32, #tpu.memory_space<hbm>> -> memref<1x8x16xf32, #tpu.memory_space<hbm>>
      %dma_start3A_722 = tpu.memref_squeeze %dma_start3A_721 : memref<1x8x16xf32, #tpu.memory_space<hbm>> -> memref<8x16xf32, #tpu.memory_space<hbm>>
      %dma_start3A_723 = arith.constant 0 : i32
      %dma_start3A_724 = arith.constant 0 : i32
      %dma_start3A_725 = tpu.memref_slice %arg6[%add3A, %dma_start3A_723, %dma_start3A_724] : memref<32x8x16xf32, #tpu.memory_space<hbm>> -> memref<1x8x16xf32, #tpu.memory_space<hbm>>
      %dma_start3A_726 = tpu.memref_squeeze %dma_start3A_725 : memref<1x8x16xf32, #tpu.memory_space<hbm>> -> memref<8x16xf32, #tpu.memory_space<hbm>>
      tpu.enqueue_dma source(%arg11 : memref<8x16xf32, #tpu.memory_space<vmem>>) target(%dma_start3A_726 : memref<8x16xf32, #tpu.memory_space<hbm>>) target_semaphore(%run_scoped3A : memref<!tpu.dma_semaphore, #tpu.memory_space<semaphore_mem>>)
      %dma_wait3A = arith.constant 0 : i32
      %dma_wait3A_727 = arith.constant 0 : i32
      %dma_wait3A_728 = tpu.memref_slice %arg6[%add3A, %dma_wait3A, %dma_wait3A_727] : memref<32x8x16xf32, #tpu.memory_space<hbm>> -> memref<1x8x16xf32, #tpu.memory_space<hbm>>
      %dma_wait3A_729 = tpu.memref_squeeze %dma_wait3A_728 : memref<1x8x16xf32, #tpu.memory_space<hbm>> -> memref<8x16xf32, #tpu.memory_space<hbm>>
      %dma_wait3A_730 = arith.constant 0 : i32
      %dma_wait3A_731 = arith.constant 0 : i32
      %dma_wait3A_732 = tpu.memref_slice %arg6[%add3A, %dma_wait3A_730, %dma_wait3A_731] : memref<32x8x16xf32, #tpu.memory_space<hbm>> -> memref<1x8x16xf32, #tpu.memory_space<hbm>>
      %dma_wait3A_733 = tpu.memref_squeeze %dma_wait3A_732 : memref<1x8x16xf32, #tpu.memory_space<hbm>> -> memref<8x16xf32, #tpu.memory_space<hbm>>
      tpu.wait_dma2 semaphore(%run_scoped3A : memref<!tpu.dma_semaphore, #tpu.memory_space<semaphore_mem>>) src(%arg11 : memref<8x16xf32, #tpu.memory_space<vmem>>) dst(%dma_wait3A_733 : memref<8x16xf32, #tpu.memory_space<hbm>>)
      tpu.yield
    }) : () -> ()
    return
  }
}

module attributes {stable_mosaic.version = 14 : i64} {
  func.func @_dense_body(%arg0: i32, %arg1: memref<8x300x92xf32, #tpu.memory_space<vmem>>, %arg2: memref<1x1xf32, #tpu.memory_space<smem>>) attributes {dimension_semantics = [#tpu.dimension_semantics<arbitrary>], iteration_bounds = array<i64: 8>, scalar_prefetch = 0 : i64, scratch_operands = 0 : i64, tpu.core_type = #tpu.core_type<tc>, window_params = [{transform_indices = @transform_0, window_bounds = array<i64: 8, 300, 92>}, {transform_indices = @transform_1, window_bounds = array<i64: 1, 1>}]} {
    %eq3A = arith.constant 0 : i32
    %eq3A_0 = arith.cmpi eq, %arg0, %eq3A : i32
    %convert_element_type3A = arith.extui %eq3A_0 : i1 to i32
    %cond3A = arith.constant 0 : i32
    %cond3A_1 = arith.cmpi ne, %convert_element_type3A, %cond3A : i32
    scf.if %cond3A_1 {
      %swap3A_23 = arith.constant 0.000000e+00 : f32
      %swap3A_24 = arith.constant 0 : index
      %swap3A_25 = arith.constant 0 : index
      %swap3A_26 = memref.load %arg2[%swap3A_24, %swap3A_25] : memref<1x1xf32, #tpu.memory_space<smem>>
      memref.store %swap3A_23, %arg2[%swap3A_24, %swap3A_25] : memref<1x1xf32, #tpu.memory_space<smem>>
    } else {
    }
    %get3A = arith.constant 0 : index
    %get3A_2 = arith.constant 0 : index
    %get3A_3 = arith.constant 0 : index
    %get3A_4 = vector.load %arg1[%get3A, %get3A_2, %get3A_3] : memref<8x300x92xf32, #tpu.memory_space<vmem>>, vector<8x300x92xf32>
    %reduce_max3A = arith.constant dense<0xFF800000> : vector<8x300xf32>
    %reduce_max3A_5 = vector.multi_reduction <maximumf>, %get3A_4, %reduce_max3A [2] : vector<8x300x92xf32> to vector<8x300xf32>
    %broadcast_in_dim3A = vector.shape_cast %reduce_max3A_5 : vector<8x300xf32> to vector<8x300x1xf32>
    %sub3A = vector.broadcast %broadcast_in_dim3A : vector<8x300x1xf32> to vector<8x300x92xf32>
    %sub3A_6 = arith.subf %get3A_4, %sub3A : vector<8x300x92xf32>
    %exp3A = math.exp %sub3A_6 : vector<8x300x92xf32>
    %reduce_sum3A = arith.constant dense<0.000000e+00> : vector<8x300xf32>
    %reduce_sum3A_7 = vector.multi_reduction <add>, %exp3A, %reduce_sum3A [2] : vector<8x300x92xf32> to vector<8x300xf32>
    %broadcast_in_dim3A_8 = vector.shape_cast %reduce_sum3A_7 : vector<8x300xf32> to vector<8x300x1xf32>
    %log3A = math.log %broadcast_in_dim3A_8 : vector<8x300x1xf32>
    %add3A = arith.addf %log3A, %broadcast_in_dim3A : vector<8x300x1xf32>
    %slice3A = vector.extract_strided_slice %get3A_4 {offsets = [0, 0, 91], sizes = [8, 300, 1], strides = [1, 1, 1]} : vector<8x300x92xf32> to vector<8x300x1xf32>
    %sub3A_9 = arith.subf %add3A, %slice3A : vector<8x300x1xf32>
    %reduce_sum3A_10 = vector.shape_cast %sub3A_9 : vector<8x300x1xf32> to vector<1x8x300x1xf32>
    %reduce_sum3A_11 = arith.constant dense<0.000000e+00> : vector<1xf32>
    %reduce_sum3A_12 = vector.multi_reduction <add>, %reduce_sum3A_10, %reduce_sum3A_11 [1, 2, 3] : vector<1x8x300x1xf32> to vector<1xf32>
    %reduce_sum3A_13 = vector.shape_cast %reduce_sum3A_12 : vector<1xf32> to vector<1x1x1x1xf32>
    %reduce_sum3A_14 = vector.extract %reduce_sum3A_13[0, 0, 0, 0] : f32 from vector<1x1x1x1xf32>
    %add3A_15 = arith.constant 0.000000e+00 : f32
    %add3A_16 = arith.addf %add3A_15, %reduce_sum3A_14 : f32
    %get3A_17 = arith.constant 0 : index
    %get3A_18 = arith.constant 0 : index
    %get3A_19 = memref.load %arg2[%get3A_17, %get3A_18] : memref<1x1xf32, #tpu.memory_space<smem>>
    %add3A_20 = arith.addf %get3A_19, %add3A_16 : f32
    %swap3A = arith.constant 0 : index
    %swap3A_21 = arith.constant 0 : index
    %swap3A_22 = memref.load %arg2[%swap3A, %swap3A_21] : memref<1x1xf32, #tpu.memory_space<smem>>
    memref.store %add3A_20, %arg2[%swap3A, %swap3A_21] : memref<1x1xf32, #tpu.memory_space<smem>>
    return
  }
  func.func @transform_0(%arg0: i32) -> (i32, i32, i32) {
    %c0_i32 = arith.constant 0 : i32
    %c0_i32_0 = arith.constant 0 : i32
    %c0_i32_1 = arith.constant 0 : i32
    return %arg0, %c0_i32, %c0_i32_0 : i32, i32, i32
  }
  func.func @transform_1(%arg0: i32) -> (i32, i32) {
    %c0_i32 = arith.constant 0 : i32
    %c0_i32_0 = arith.constant 0 : i32
    %c0_i32_1 = arith.constant 0 : i32
    return %c0_i32, %c0_i32_0 : i32, i32
  }
}

</mosaic_0001>

<sc_bundles>
// kernel: kernel.4.cloned.1.call-start
scs
__scs_entry_jumppad:
0x0: {  	(pc) =	sbr.rel $0x88, $3  }
0x1: {  	(tag) =	ssettag $0x0;
	lr =	simm.s32 $0x1  }
0x2: {  	[smem:$0x3F9D] =	sst lr;
	_ =	strace $0xD0000000  }
0x3: {  	_ = 	snop  }
0x4: {  	_ = 	snop  }
0x5: {  	_ = 	snop  }
0x6: {  	_ = 	snop  }
0x7: {  	_ = 	snop  }
__scs_overlays_trampoline_lowered:
0x8: {  	[smem:$0x3FAC] =	sst s0  }
0x9: {  	[smem:$0x3FAD] =	sst s1  }
0xa: {  	[smem:$0x3FAE] =	sst s2  }
0xb: {  	[smem:$0x3FAF] =	sst s3  }
0xc: {  	[smem:$0x3FB0] =	sst s4  }
0xd: {  	[smem:$0x3FB1] =	sst s5  }
0xe: {  	[smem:$0x3FB2] =	sst s6  }
0xf: {  	[smem:$0x3FB3] =	sst s7  }
0x10: {  	[smem:$0x3FB4] =	sst s8  }
0x11: {  	[smem:$0x3FB5] =	sst s9;
	s0 =	simm.s32 @!p0 $0x0  }
0x12: {  	s1 =	sld [smem:$0x3F9B];
	s0 =	simm.s32 @p0 $0x1  }
0x13: {  	[smem:$0x3FB6] =	sst s0;
	s0 =	simm.s32 @!p1 $0x0  }
0x14: {  	s2 =	sld [smem:$0x3F9A];
	s0 =	simm.s32 @p1 $0x1  }
0x15: {  	[smem:$0x3FB7] =	sst s0;
	s0 =	simm.s32 @!p2 $0x0  }
0x16: {  	s3 =	sld [smem:$0x3FDB];
	s0 =	simm.s32 @p2 $0x1  }
0x17: {  	s4 =	simm.s32 $0x1BF5;
	[smem:$0x3FB9] =	sst s0  }
0x18: {  	s0 =	sld [smem:$0x3F9C];
	_ =	swait.ge [sflag:s4], $0x0  }
0x19: {  	s7 =	sld [smem:$0x3F9D]  }
0x1a: {  	s8 =	sadd.s32 $0xFFFFE003, lr  }
0x1b: {  	s9 =	sadd.s32 $0xFFFFFEF7, lr;
	s5 =	simm.s32 $0xFFFFFFFF;
	p2 =	slt.u32 s8, $0xFFFFF086  }
0x1c: {  	p1 =	slt.u32 s9, $0xF7A;
	s5 =	simm.s32 @!p2 $0x0  }
0x1d: {  	s5 =	simm.s32 @p1 $0x1;
	p0 =	seq.s32 s7, s2  }
0x1e: {  	s7 =	smul.u32 @!p0 $0xF7A, s2;
	p2 =	seq.s32 @!p0 s5, $0x0  }
0x1f: {  	s9 =	smul.u32 $0xF7A, s1;
	s8 =	simm.s32 @!p0 $0x1BF5;
	p2 =	por !p2, p0  }
0x20: {  	[sflag:s8] =	ssyncset.s32 @!p0 $0xFFFFF086;
	s6 =	sadd.s32 @!p0 s3, s7;
	s7 =	simm.s32 @!p0 $0x108  }
0x21: {  	s3 =	sadd.s32 s3, s9;
	s6 =	sadd.s32 @!p0 $0x88, s6;
	s7 =	simm.s32 @p2 $0x1082  }
0x22: {  	[simem:s7], [sflag:s8] =	dma.local @!p0 [hbm:s6], $0xF7A  }
0x23: {  	s9 =	sor.u32 $0xD0000000, s2;
	s6 =	simm.s32 $0x108;
	_ =	swait.ge @!p0 [sflag:s8], $0x0  }
0x24: {  	s3 =	sadd.s32 $0x88, s3;
	s6 =	simm.s32 @!p1 $0x1082;
	[sflag:s4] =	ssyncset.s32 $0xFFFFF086  }
0x25: {  	[simem:s6], [sflag:s4] =	dma.local [hbm:s3], $0xF7A  }
0x26: {  	[smem:$0x3F9D] =	sst s1;
	(tag) =	ssettag s2;
	_ =	strace s9  }
0x27: {  	s1 =	sld [smem:$0x3FAD]  }
0x28: {  	s2 =	sld [smem:$0x3FAE]  }
0x29: {  	s4 =	sld [smem:$0x3FB0]  }
0x2a: {  	p0 =	seq.s32 s5, $0x0;
	s5 =	sld [smem:$0x3FB1]  }
0x2b: {  	s6 =	sld [smem:$0x3FB2]  }
0x2c: {  	s7 =	sld [smem:$0x3FB3]  }
0x2d: {  	s3 =	simm.s32 $0x108;
	s8 =	sld [smem:$0x3FB4]  }
0x2e: {  	s3 =	simm.s32 @!p0 $0x1082;
	s9 =	sld [smem:$0x3FB5]  }
0x2f: {  	lr =	sadd.s32 s0, s3;
	s0 =	sld [smem:$0x3FAC]  }
0x30: {  	s3 =	sld [smem:$0x3FAF]  }
0x31: {  	[smem:$0x3FB8] =	sst s10  }
0x32: {  	s10 =	sld [smem:$0x3FB6];
	_ =	sdelay $0x3  }
0x33: {  	p0 =	seq.s32 s10, $0x1;
	s10 =	sld [smem:$0x3FB8];
	_ =	sdelay $0x3  }
0x34: {  	[smem:$0x3FB8] =	sst s10  }
0x35: {  	s10 =	sld [smem:$0x3FB7];
	_ =	sdelay $0x3  }
0x36: {  	p1 =	seq.s32 s10, $0x1;
	s10 =	sld [smem:$0x3FB8];
	_ =	sdelay $0x3  }
0x37: {  	[smem:$0x3FB8] =	sst s10  }
0x38: {  	s10 =	sld [smem:$0x3FB9]  }
0x39: {  	_ = 	snop;
	(pc) =	sbr.ind lr, $3  }
0x3a: {  	_ = 	snop  }
0x3b: {  	_ = 	snop  }
0x3c: {  	p2 =	seq.s32 s10, $0x1;
	s10 =	sld [smem:$0x3FB8]  }
0x3d: {  	_ =	shalt  }
0x3e: {  	_ =	shalt  }
0x3f: {  	_ =	shalt  }
0x40: {  	_ =	shalt  }
0x41: {  	_ =	shalt  }
0x42: {  	_ =	shalt  }
0x43: {  	_ =	shalt  }
0x44: {  	_ =	shalt  }
0x45: {  	_ =	shalt  }
0x46: {  	_ =	shalt  }
0x47: {  	_ =	shalt  }
0x48: {  	_ =	shalt  }
0x49: {  	_ =	shalt  }
0x4a: {  	_ =	shalt  }
0x4b: {  	_ =	shalt  }
0x4c: {  	_ =	shalt  }
0x4d: {  	_ =	shalt  }
0x4e: {  	_ =	shalt  }
0x4f: {  	_ =	shalt  }
0x50: {  	_ =	shalt  }
0x51: {  	_ =	shalt  }
0x52: {  	_ =	shalt  }
0x53: {  	_ =	shalt  }
0x54: {  	_ =	shalt  }
0x55: {  	_ =	shalt  }
0x56: {  	_ =	shalt  }
0x57: {  	_ =	shalt  }
0x58: {  	_ =	shalt  }
0x59: {  	_ =	shalt  }
0x5a: {  	_ =	shalt  }
0x5b: {  	_ =	shalt  }
0x5c: {  	_ =	shalt  }
0x5d: {  	_ =	shalt  }
0x5e: {  	_ =	shalt  }
0x5f: {  	_ =	shalt  }
0x60: {  	_ =	shalt  }
0x61: {  	_ =	shalt  }
0x62: {  	_ =	shalt  }
0x63: {  	_ =	shalt  }
0x64: {  	_ =	shalt  }
0x65: {  	_ =	shalt  }
0x66: {  	_ =	shalt  }
0x67: {  	_ =	shalt  }
0x68: {  	_ =	shalt  }
0x69: {  	_ =	shalt  }
0x6a: {  	_ =	shalt  }
0x6b: {  	_ =	shalt  }
0x6c: {  	_ =	shalt  }
0x6d: {  	_ =	shalt  }
0x6e: {  	_ =	shalt  }
0x6f: {  	_ =	shalt  }
0x70: {  	_ =	shalt  }
0x71: {  	_ =	shalt  }
0x72: {  	_ =	shalt  }
0x73: {  	_ =	shalt  }
0x74: {  	_ =	shalt  }
0x75: {  	_ =	shalt  }
0x76: {  	_ =	shalt  }
0x77: {  	_ =	shalt  }
0x78: {  	_ =	shalt  }
0x79: {  	_ =	shalt  }
0x7a: {  	_ =	shalt  }
0x7b: {  	_ =	shalt  }
0x7c: {  	_ =	shalt  }
0x7d: {  	_ =	shalt  }
0x7e: {  	_ =	shalt  }
0x7f: {  	_ =	shalt  }
0x80: {  	_ =	shalt  }
0x81: {  	_ =	shalt  }
0x82: {  	_ =	shalt  }
0x83: {  	_ =	shalt  }
0x84: {  	_ =	shalt  }
0x85: {  	_ =	shalt  }
0x86: {  	_ =	shalt  }
0x87: {  	_ =	shalt  }
.Lfunc_end0:
.L_simem_size_0:
called_computation_lowered:
.L_overlay_start_0:
0x88: {  	s2 =	sld [smem:$0x3FD9]  }
0x89: {  	s3 =	sld [smem:$0x3FFE];
	_ =	sdelay $0x1  }
0x8a: {  	s1 =	srdreg.scid  }
0x8b: {  	s0 =	sand.u32 $0x1, s1  }
0x8c: {  	s17 =	sshll.u32 s0, $0xA;
	s2 =	sadd.s32 s3, s2  }
0x8d: {  	s2 =	sadd.s32 s2, s17  }
0x8e: {  	[smem:$0x3FC4] =	sst s2  }
0x8f: {  	_ = 	snop  }
0x90: {  	s2 =	sld [smem:$0x3FC6];
	(tm) =	ssettm $0x1  }
0x91: {  	s18 =	sld [smem:$0x3FFB];
	_ =	sdelay $0x3  }
0x92: {  	_ =	strace s18  }
0x93: {  	s3 =	sld [smem:$0x3FFC];
	_ =	sdelay $0x3  }
0x94: {  	_ =	strace s3  }
0x95: {  	s3 =	sld [smem:$0x3FFD];
	_ =	sdelay $0x3  }
0x96: {  	_ =	strace s3  }
0x97: {  	_ =	strace $0x8FFFFFFF  }
0x98: {  	s19 =	sld [smem:$0x3FDB];
	_ =	sdelay $0x1  }
0x99: {  	s4 =	simm.s32 $_scs_section_size  }
0x9a: {  	s5 =	simm.s32 $_size__tile_overlayer_lowered;
	s6 =	simm.s32 $_tile_overlayer_lowered  }
0x9b: {  	s22 =	simm.s32 $0x1BFF;
	s21 =	sshll.u32 s6, $0x1;
	s3 =	sadd.s32 s4, s19  }
0x9c: {  	s7 =	simm.s32 $0x0;
	s20 =	sshll.u32 s5, $0x1;
	s5 =	sadd.s32 s21, s3  }
0x9d: {  	[timem:s7], [sflag:s22] =	dma.local [hbm:s5], s20  }
0x9e: {  	_ =	swait.ge [sflag:s22], s20  }
0x9f: {  	s4 =	ssub.s32 $0x0, s20;
	[sflag:s22] =	ssyncset.done $0x0  }
0xa0: {  	[sflag:s22] =	ssyncadd.s32 s4;
	_ =	sdelay $0x1  }
0xa1: {  	s23 =	simm.s32 $0x1B8B  }
0xa2: {  	_ =	swait.ge [sflag:s23], $0x1  }
0xa3: {  	[sflag:s23] =	ssyncset.done $0x0  }
0xa4: {  	s25 =	simm.s32 $0x1B8E;
	s24 =	sld [smem:$0x3FFE];
	[sflag:s23] =	ssyncadd.s32 $0xFFFFFFFF  }
0xa5: {  	s26 =	simm.s32 $execute0_lowered;
	[smem:$0x3FD2] =	sst s25  }
0xa6: {  	s5 =	sshll.u32 s26, $0x1;
	_ =	strace $0x80000046;
	[dreg:$0x1] =	wrdreg $0xFFFFFFFF  }
0xa7: {  	s28 =	simm.s32 $_size_execute0_lowered;
	s3 =	sadd.s32 s3, s5;
	[dreg:$0x0] =	wrdreg $0x0  }
0xa8: {  	s5 =	sshll.u32 s28, $0x1;
	[dreg:$0x2] =	wrdreg s3  }
0xa9: {  	[dreg:$0x3] =	wrdreg s5  }
0xaa: {  	[dreg:$0x4] =	wrdreg $0xC0  }
0xab: {  	_ =	task [dreg:s7], $0x5FFFF  }
0xac: {  	[dreg:$0x1] =	wrdreg $0xFFFFFFFF  }
0xad: {  	[dreg:$0x0] =	wrdreg $0x60  }
0xae: {  	[dreg:$0x2] =	wrdreg s24  }
0xaf: {  	[dreg:$0x3] =	wrdreg s2  }
0xb0: {  	[dreg:$0x4] =	wrdreg $0x9  }
0xb1: {  	_ =	task.clear_ibuf [dreg:s7], $0x5FFFF;
	_ =	strace $0x90000046  }
0xb2: {  	s29 =	simm.s32 $0x9;
	_ =	strace $0x80000048  }
0xb3: {  	_ =	swait.ge [sflag:s29], $0x1  }
0xb4: {  	[sflag:s29] =	ssyncadd.s32 $0xFFFFFFFF  }
0xb5: {  	_ =	strace $0x90000048  }
0xb6: {  	_ =	sfence  }
0xb7: {  	s30 =	sld [smem:$0x0];
	_ =	sdelay $0x2  }
0xb8: {  	s31 =	sshll.u32 s1, $0xD;
	s1 =	sshrl.u32 s1, $0x2  }
0xb9: {  	s3 =	sand.u32 $0x4000, s31;
	s1 =	sadd.s32 s1, s30  }
0xba: {  	s0 =	sor.u32 s3, s0;
	s1 =	sshll.u32 s1, $0x11  }
0xbb: {  	s0 =	sor.u32 s1, s0  }
0xbc: {  	s0 =	sadd.s32 $0x8F2B, s0  }
0xbd: {  	[sflag:s0] =	ssyncadd.remote.s32 $0x1  }
0xbe: {  	_ =	sfence.sel $0xFFFF  }
0xbf: {  	[dreg:$0x0] =	wrdreg $0xFFFFFFFF;
	(pc) =	sbr.abs _section_cstart, $3  }
0xc0: {  	[dreg:$0x1] =	wrdreg $0xFFFFFFFF  }
0xc1: {  	_ =	task.clear_ibuf [dreg:s7], $0x2FFFF;
	_ =	strace $0x9FFFFFFF  }
0xc2: {  	(tm) =	ssettm $0x7FFFFFFF  }
0xc3: {  	_ =	shalt  }
tec
execute0_lowered:
.L_overlay_start_1:
0x0: {  	(tag) =	ssettag $0x1  }
0x1: {  	v0 =	vimm.s32 $0x1180;
	vm6 =	vcmask $0x300;
	vm4 =	vcmask $0x704  }
0x2: {  	vm5 =	vcmask $0xB08;
	vm3 =	vcmask $0xF0C;
	v1 =	vimm.s32 $0x3210  }
0x3: {  	vm2 =	vcmask $0x1310;
	v3 =	vimm.s32 $0x83828180;
	vm0 =	vcmask $0x1F00  }
0x4: {  	vm1 =	vcmask $0x1714;
	v6 =	vimm.s32 $0x11DB;
	v7 =	vimm.s32 $0x5B  }
0x5: {  	v8 =	vimm.s32 $0x383;
	v9 =	vimm.s32 $0x583;
	v10 =	vimm.s32 $0x783  }
0x6: {  	v11 =	vimm.s32 $0x983;
	v12 =	vimm.s32 $0xD83;
	v13 =	vimm.s32 $0xB83  }
0x7: {  	v14 =	vimm.s32 $0xF83;
	v15 =	vimm.s32 $0x1183;
	v16 =	vimm.s32 $0x1383  }
0x8: {  	v17 =	vimm.s32 $0x1583;
	vm15 =	vcmask $0x1F1C;
	v0 =	vsel vm6, $0x800, v0  }
0x9: {  	v1 =	vunpack.c.l.s4.s8 v1;
	v3 =	vunpack.c.0.s8.s32 v3;
	v7 =	vsel vm6, $0x125B, v7  }
0xa: {  	v8 =	vsel vm6, $0x200, v8;
	v9 =	vsel vm6, $0x400, v9;
	v10 =	vsel vm6, $0x600, v10  }
0xb: {  	v11 =	vsel vm6, $0x800, v11;
	v12 =	vsel vm6, $0xC00, v12;
	v13 =	vsel vm6, $0xA00, v13  }
0xc: {  	v14 =	vsel vm6, $0xE00, v14;
	v15 =	vsel vm6, $0x1000, v15;
	v16 =	vsel vm6, $0x1200, v16  }
0xd: {  	v17 =	vsel vm6, $0x1400, v17;
	v0 =	vsel vm4, $0x880, v0;
	v7 =	vsel vm4, $0x12DB, v7  }
0xe: {  	v8 =	vsel vm4, $0x201, v8;
	v9 =	vsel vm4, $0x401, v9;
	v10 =	vsel vm4, $0x601, v10  }
0xf: {  	v11 =	vsel vm4, $0x801, v11;
	v12 =	vsel vm4, $0xC01, v12;
	v13 =	vsel vm4, $0xA01, v13  }
0x10: {  	v14 =	vsel vm4, $0xE01, v14;
	v15 =	vsel vm4, $0x1001, v15;
	v16 =	vsel vm4, $0x1201, v16  }
0x11: {  	v17 =	vsel vm4, $0x1401, v17;
	v0 =	vsel vm5, $0x900, v0;
	v4 =	vunpack.c.0.s8.s32 v1  }
0x12: {  	v3 =	vand.u32 $0xFF, v3;
	v7 =	vsel vm5, $0x135B, v7;
	v8 =	vsel vm5, $0x202, v8  }
0x13: {  	v9 =	vsel vm5, $0x402, v9;
	v10 =	vsel vm5, $0x602, v10;
	v11 =	vsel vm5, $0x802, v11  }
0x14: {  	v12 =	vsel vm5, $0xC02, v12;
	v13 =	vsel vm5, $0xA02, v13;
	v14 =	vsel vm5, $0xE02, v14  }
0x15: {  	v15 =	vsel vm5, $0x1002, v15;
	v16 =	vsel vm5, $0x1202, v16;
	v17 =	vsel vm5, $0x1402, v17  }
0x16: {  	v0 =	vsel vm3, $0x980, v0;
	v7 =	vsel vm3, $0x13DB, v7;
	v8 =	vsel vm3, $0x203, v8  }
0x17: {  	v9 =	vsel vm3, $0x403, v9;
	v10 =	vsel vm3, $0x603, v10;
	v11 =	vsel vm3, $0x803, v11  }
0x18: {  	v12 =	vsel vm3, $0xC03, v12;
	v13 =	vsel vm3, $0xA03, v13;
	v14 =	vsel vm3, $0xE03, v14  }
0x19: {  	v15 =	vsel vm3, $0x1003, v15;
	v16 =	vsel vm3, $0x1203, v16;
	v17 =	vsel vm3, $0x1403, v17  }
0x1a: {  	v2 =	vsel vm2, $0xC00, v0;
	v0 =	vimm.f32 $0.0e+00;
	v7 =	vsel vm2, $0x145B, v7  }
0x1b: {  	v8 =	vsel vm2, $0x280, v8;
	v9 =	vsel vm2, $0x480, v9;
	v10 =	vsel vm2, $0x680, v10  }
0x1c: {  	v11 =	vsel vm2, $0x880, v11;
	v12 =	vsel vm2, $0xC80, v12;
	v13 =	vsel vm2, $0xA80, v13  }
0x1d: {  	v14 =	vsel vm2, $0xE80, v14;
	v15 =	vsel vm2, $0x1080, v15;
	v16 =	vsel vm2, $0x1280, v16  }
0x1e: {  	v17 =	vsel vm2, $0x1480, v17;
	v1 =	vsel vm0, $0x3F800000, v0;
	vm0 =	vcmask $0xF00  }
0x1f: {  	v2 =	vsel vm1, $0xC80, v2;
	v7 =	vsel vm1, $0x14DB, v7;
	v8 =	vsel vm1, $0x281, v8  }
0x20: {  	v9 =	vsel vm1, $0x481, v9;
	v10 =	vsel vm1, $0x681, v10;
	v11 =	vsel vm1, $0x881, v11  }
0x21: {  	v12 =	vsel vm1, $0xC81, v12;
	v13 =	vsel vm1, $0xA81, v13;
	v14 =	vsel vm1, $0xE81, v14  }
0x22: {  	v15 =	vsel vm1, $0x1081, v15;
	v4 =	vnsel vm0, $0x183, v4;
	vm0 =	vcmask $0x1F10  }
0x23: {  	v16 =	vsel vm1, $0x1281, v16;
	v17 =	vsel vm1, $0x1481, v17;
	v5 =	vsel vm0, v3, v4  }
0x24: {  	v3 =	vsel vm6, $0x85B, v6;
	v4 =	vimm.s32 $0x0;
	v6 =	vimm.s32 $0x4  }
0x25: {  	vm0 =	vcmask $0x1B18;
	v4 =	vsel vm6, $0x1200, v4;
	v6 =	vsel vm6, $0x1004, v6  }
0x26: {  	v2 =	vsel vm0, $0xD00, v2;
	v3 =	vsel vm4, $0x8DB, v3;
	v7 =	vsel vm0, $0x155B, v7  }
0x27: {  	v8 =	vsel vm0, $0x282, v8;
	v9 =	vsel vm0, $0x482, v9;
	v10 =	vsel vm0, $0x682, v10  }
0x28: {  	v11 =	vsel vm0, $0x882, v11;
	v12 =	vsel vm0, $0xC82, v12;
	v13 =	vsel vm0, $0xA82, v13  }
0x29: {  	v14 =	vsel vm0, $0xE82, v14;
	v15 =	vsel vm0, $0x1082, v15;
	v16 =	vsel vm0, $0x1282, v16  }
0x2a: {  	v17 =	vsel vm0, $0x1482, v17;
	v4 =	vsel vm4, $0x1280, v4;
	v6 =	vsel vm4, $0x1084, v6  }
0x2b: {  	v3 =	vsel vm5, $0x95B, v3;
	v2 =	vsel vm15, $0xD80, v2;
	v4 =	vsel vm5, $0x1300, v4  }
0x2c: {  	v6 =	vsel vm5, $0x1104, v6;
	v3 =	vsel vm3, $0x9DB, v3;
	v4 =	vsel vm3, $0x1380, v4  }
0x2d: {  	v6 =	vsel vm3, $0x1184, v6;
	vm3 =	vcmask $0x2320;
	v3 =	vsel vm2, $0xC5B, v3  }
0x2e: {  	v4 =	vsel vm2, $0x1400, v4;
	v6 =	vsel vm2, $0x1204, v6;
	v2 =	vsel vm3, $0xE00, v2  }
0x2f: {  	v3 =	vsel vm1, $0xCDB, v3;
	v5 =	vsel vm3, $0x100, v5;
	v4 =	vsel vm1, $0x1480, v4  }
0x30: {  	v6 =	vsel vm1, $0x1284, v6;
	vm1 =	vcmask $0x2724;
	v3 =	vsel vm0, $0xD5B, v3  }
0x31: {  	v4 =	vsel vm0, $0x1500, v4;
	v6 =	vsel vm0, $0x1304, v6;
	v18 =	vsel vm1, $0xE80, v2  }
0x32: {  	v19 =	vsel vm15, $0xDDB, v3;
	vm0 =	vcmask $0x2B28;
	v5 =	vsel vm1, $0x101, v5  }
0x33: {  	v2 =	vsel vm15, $0x1580, v4;
	v3 =	vsel vm15, $0x1384, v6;
	v4 =	vsel vm15, $0x15DB, v7  }
0x34: {  	v6 =	vsel vm15, $0x283, v8;
	v7 =	vsel vm15, $0x483, v9;
	v8 =	vsel vm15, $0x683, v10  }
0x35: {  	v9 =	vsel vm15, $0x883, v11;
	v10 =	vsel vm15, $0xC83, v12;
	v11 =	vsel vm15, $0xA83, v13  }
0x36: {  	v12 =	vsel vm15, $0xE83, v14;
	v13 =	vsel vm15, $0x1083, v15;
	v14 =	vsel vm15, $0x1283, v16  }
0x37: {  	v15 =	vsel vm15, $0x1483, v17;
	v16 =	vsel vm3, $0xE5B, v19;
	v17 =	vsel vm0, $0xF00, v18  }
0x38: {  	v5 =	vsel vm0, $0x102, v5;
	v18 =	vlaneseq.u32;
	v6 =	vsel vm3, $0x300, v6  }
0x39: {  	v7 =	vsel vm3, $0x500, v7;
	v8 =	vsel vm3, $0x700, v8;
	v9 =	vsel vm3, $0x900, v9  }
0x3a: {  	v10 =	vsel vm3, $0xD00, v10;
	v11 =	vsel vm3, $0xB00, v11;
	v12 =	vsel vm3, $0xF00, v12  }
0x3b: {  	v13 =	vsel vm3, $0x1100, v13;
	v14 =	vsel vm3, $0x1300, v14;
	v15 =	vsel vm3, $0x1500, v15  }
0x3c: {  	v16 =	vsel vm1, $0xEDB, v16;
	v6 =	vsel vm1, $0x301, v6;
	v7 =	vsel vm1, $0x501, v7  }
0x3d: {  	v8 =	vsel vm1, $0x701, v8;
	v9 =	vsel vm1, $0x901, v9;
	v10 =	vsel vm1, $0xD01, v10  }
0x3e: {  	v11 =	vsel vm1, $0xB01, v11;
	v12 =	vsel vm1, $0xF01, v12;
	v13 =	vsel vm1, $0x1101, v13  }
0x3f: {  	v14 =	vsel vm1, $0x1301, v14;
	v15 =	vsel vm1, $0x1501, v15;
	vm1 =	vcmask $0x2F2C  }
0x40: {  	v16 =	vsel vm0, $0xF5B, v16;
	v6 =	vsel vm0, $0x302, v6;
	v7 =	vsel vm0, $0x502, v7  }
0x41: {  	v8 =	vsel vm0, $0x702, v8;
	v9 =	vsel vm0, $0x902, v9;
	v10 =	vsel vm0, $0xD02, v10  }
0x42: {  	v11 =	vsel vm0, $0xB02, v11;
	v12 =	vsel vm0, $0xF02, v12;
	v13 =	vsel vm0, $0x1102, v13  }
0x43: {  	v14 =	vsel vm0, $0x1302, v14;
	v15 =	vsel vm0, $0x1502, v15;
	v17 =	vsel vm1, $0xF80, v17  }
0x44: {  	v16 =	vsel vm1, $0xFDB, v16;
	v5 =	vsel vm1, $0x103, v5;
	vm0 =	vcmask $0x3330  }
0x45: {  	v6 =	vsel vm1, $0x303, v6;
	v7 =	vsel vm1, $0x503, v7;
	v8 =	vsel vm1, $0x703, v8  }
0x46: {  	v9 =	vsel vm1, $0x903, v9;
	v10 =	vsel vm1, $0xD03, v10;
	v11 =	vsel vm1, $0xB03, v11  }
0x47: {  	v12 =	vsel vm1, $0xF03, v12;
	v13 =	vsel vm1, $0x1103, v13;
	v14 =	vsel vm1, $0x1303, v14  }
0x48: {  	v15 =	vsel vm1, $0x1503, v15;
	v17 =	vsel vm0, $0x1000, v17;
	v16 =	vsel vm0, $0x105B, v16  }
0x49: {  	v19 =	vsel vm0, $0x180, v5;
	v6 =	vsel vm0, $0x380, v6;
	v7 =	vsel vm0, $0x580, v7  }
0x4a: {  	s4 =	rddreg [dreg:$0x0];
	s1 =	srdreg.scid;
	v8 =	vsel vm0, $0x780, v8;
	v9 =	vsel vm0, $0x980, v9;
	v10 =	vsel vm0, $0xD80, v10  }
0x4b: {  	s0 =	stileid.u32;
	s2 =	rddreg [dreg:$0x1];
	v11 =	vsel vm0, $0xB80, v11;
	v12 =	vsel vm0, $0xF80, v12;
	v13 =	vsel vm0, $0x1180, v13  }
0x4c: {  	s3 =	simm.s32 $0x0;
	s14 =	simm.s32 $0x2400;
	s15 =	simm.s32 $0x3000;
	v14 =	vsel vm0, $0x1380, v14;
	v15 =	vsel vm0, $0x1580, v15;
	vm0 =	vcmask $0x3734  }
0x4d: {  	s16 =	simm.s32 $0x4400;
	s5 =	sand.u32 $0x1, s1;
	s6 =	sshll.u32 s0, $0x1;
	v5 =	vmul.u32 $0x80, v18;
	v17 =	vsel vm0, $0x1080, v17;
	v16 =	vsel vm0, $0x10DB, v16  }
0x4e: {  	s18 =	simm.s32 $0x0;
	[smem:$0x7FF] =	sst s3;
	s17 =	sor.u32 s5, s6;
	v18 =	vsel vm0, $0x181, v19;
	v19 =	vsel vm0, $0x381, v6;
	v20 =	vsel vm0, $0x581, v7  }
0x4f: {  	s7 =	sadd.s32 $0x1200, s4;
	s8 =	sadd.s32 $0x4D200, s4;
	s6 =	smul.u32 $0x280, s17;
	v21 =	vsel vm0, $0x781, v8;
	v22 =	vsel vm0, $0x981, v9;
	v23 =	vsel vm0, $0xD81, v10  }
0x50: {  	s1 =	rddreg [dreg:$0x2];
	_ =	strace $0x80000047;
	s30 =	smul.u32 $0x13000, s17;
	v24 =	vsel vm0, $0xB81, v11;
	v25 =	vsel vm0, $0xF81, v12;
	v26 =	vsel vm0, $0x1181, v13  }
0x51: {  	s5 =	ssub.s32 $0x2, s5;
	s10 =	sshll.u32 s17, $0x7;
	s11 =	smul.u32 $0x2600, s17;
	v27 =	vsel vm0, $0x1381, v14;
	v28 =	vsel vm0, $0x1581, v15;
	vm0 =	vcmask $0x3B38  }
0x52: {  	s31 =	sshrl.u32 s5, $0x1;
	p0 =	sne.s32 s17, $0x0;
	s17 =	simm.s32 $0x4480;
	v6 =	vor.u32 $0x4, v5;
	v7 =	vor.u32 $0x5B, v5;
	v9 =	vor.u32 $0x804, v5  }
0x53: {  	s10 =	sadd.s32 s10, s4;
	s9 =	sadd.s32 s6, s4;
	s6 =	sshrl.u32 s30, $0x3;
	v11 =	vimm.f32 $1.000000000e+00;
	v8 =	vsel vm0, $0x1100, v17;
	v10 =	vsel vm0, $0x115B, v16  }
0x54: {  	s12 =	ssub.s32 s5, s31;
	s4 =	sadd.s32 s7, s11;
	s13 =	sadd.s32 $0x1300, s6;
	v12 =	vsel vm0, $0x182, v18;
	v13 =	vsel vm0, $0x382, v19;
	v14 =	vsel vm0, $0x582, v20  }
0x55: {  	s5 =	sadd.s32 s8, s11;
	s11 =	simm.s32 $0x1;
	s6 =	sadd.s32 s7, s13;
	v15 =	vsel vm0, $0x782, v21;
	v16 =	vsel vm0, $0x982, v22;
	v17 =	vsel vm0, $0xD82, v23  }
0x56: {  	s7 =	sadd.s32 s8, s13;
	s8 =	sadd.s32 $0x99200, s9;
	s9 =	sadd.s32 $0x9E200, s10;
	v18 =	vsel vm0, $0xB82, v24;
	v19 =	vsel vm0, $0xF82, v25;
	v20 =	vsel vm0, $0x1182, v26  }
0x57: {  	s10 =	smax.u32 s12, $0x1;
	s12 =	simm.s32 $0x1800;
	s13 =	simm.s32 $0xC00;
	v21 =	vsel vm0, $0x1382, v27;
	v22 =	vsel vm0, $0x1582, v28;
	vm0 =	vmmov $0xff  }
.LBB2_1:
0x58: {  	[tilespmem:s3], [sflag:$0x1] =	stream.linear.gather [hbm4b:s4+s3], $0xC00, $0x38;
	[tilespmem:$0x4880] =	vst v63  }
0x59: {  	_ =	swait.ge [sflag:s11], $0xC00  }
0x5a: {  	[sflag:s11] =	ssyncset.done $0x0  }
0x5b: {  	[sflag:s11] =	ssyncadd.s32 $0xFFFFF400  }
0x5c: {  	[tilespmem:s12], [sflag:$0x1] =	stream.linear.gather [hbm4b:s5+s3], $0xC00, $0x38;
	[tilespmem:$0x4880] =	vst v63  }
0x5d: {  	_ =	swait.ge [sflag:s11], $0xC00  }
0x5e: {  	[sflag:s11] =	ssyncset.done $0x0  }
0x5f: {  	[sflag:s11] =	ssyncadd.s32 $0xFFFFF400  }
0x60: {  	[tilespmem:s13], [sflag:$0x1] =	stream.linear.gather [hbm4b:s6+s3], $0xC00, $0x38;
	[tilespmem:$0x4880] =	vst v63  }
0x61: {  	_ =	swait.ge [sflag:s11], $0xC00  }
0x62: {  	[sflag:s11] =	ssyncset.done $0x0  }
0x63: {  	[sflag:s11] =	ssyncadd.s32 $0xFFFFF400  }
0x64: {  	[tilespmem:s14], [sflag:$0x1] =	stream.linear.gather [hbm4b:s7+s3], $0xC00, $0x38;
	[tilespmem:$0x4880] =	vst v63  }
0x65: {  	_ =	swait.ge [sflag:s11], $0xC00  }
0x66: {  	[sflag:s11] =	ssyncset.done $0x0  }
0x67: {  	[sflag:s11] =	ssyncadd.s32 $0xFFFFF400  }
0x68: {  	[tilespmem:s15], [sflag:$0x1] =	stream.linear.gather [hbm4b:s8+s3], $0x1400, $0x38;
	[tilespmem:$0x4880] =	vst v63  }
0x69: {  	_ =	swait.ge [sflag:s11], $0x1400  }
0x6a: {  	[sflag:s11] =	ssyncset.done $0x0  }
0x6b: {  	v23 =	vor.u32 s3, v5;
	[sflag:s11] =	ssyncadd.s32 $0xFFFFEC00  }
0x6c: {  	[tilespmem:s16], [sflag:$0x1] =	stream.linear.gather [hbm4b:s2+s3], $0x80, $0x38;
	[tilespmem:$0x4880] =	vst v63  }
0x6d: {  	_ =	swait.ge [sflag:s11], $0x80  }
0x6e: {  	[sflag:s11] =	ssyncset.done $0x0  }
0x6f: {  	s19 =	simm.s32 $0x1;
	[sflag:s11] =	ssyncadd.s32 $0xFFFFFF80  }
0x70: {  	v25 =	vor.u32 s19, v5;
	v26 =	vld.idx.msk [tilespmem:v23+s3+$0x0], $0xffff;
	_ =	sdelay $0x3  }
0x71: {  	v24 =	vimm.f32 $-Inf  }
0x72: {  	s21 =	simm.s32 $0x2;
	s20 =	simm.s32 $0x0;
	v23 =	vimm.s32 $0x5C;
	v25 =	vld.idx.msk [tilespmem:v25+s3+$0x0], $0xffff;
	vm1 =	vgt.f32 v26, v24  }
.LBB2_2:
0x73: {  	p1 =	sne.s32 s21, $0x5B  }
0x74: {  	v27 =	vor.u32 s21, v5;
	v23 =	vsel vm1, s20, v23;
	s20 =	smov.u32 s19;
	s19 =	smov.u32 s21;
	s21 =	sadd.s32 $0x1, s21  }
.Ltmp0:
0x75: {  	(pc) =	sbr.rel @p1 .LBB2_2-.Ltmp0, $3  }
0x76: {  	_ =	sdelay $0x1  }
0x77: {  	s22 =	simm.s32 $0x0;
	v24 =	vmax.f32 v24, v26  }
0x78: {  	vm1 =	vgt.f32 v25, v24;
	v26 =	vmov v25;
	v25 =	vld.idx.msk [tilespmem:v27+s22+$0x0], $0xffff  }
0x79: {  	v27 =	vmov s22  }
0x7a: {  	v27 =	vand.u32 $0x7F, v27  }
0x7b: {  	v27 =	vbroadcast v27, $0x0;
	_ =	sdelay $0x1  }
0x7c: {  	v27 =	vor.u32 v5, v27  }
0x7d: {  	s21 =	simm.s32 $0x1  }
0x7e: {  	v28 =	vmov s21  }
0x7f: {  	v28 =	vand.u32 $0x7F, v28  }
0x80: {  	v28 =	vbroadcast v28, $0x0  }
0x81: {  	v27 =	vld.idx.msk [tilespmem:v27+s3+$0x0], $0xffff  }
0x82: {  	v28 =	vor.u32 v5, v28  }
0x83: {  	s30 =	simm.s32 $0x2  }
0x84: {  	v26 =	vmax.f32 v24, v26;
	v29 =	vmov s30  }
0x85: {  	v29 =	vand.u32 $0x7F, v29;
	v24 =	vmax.f32 v26, v25  }
0x86: {  	v29 =	vbroadcast v29, $0x0;
	v27 =	vsub.f32 v27, v24  }
0x87: {  	v28 =	vld.idx.msk [tilespmem:v28+s3+$0x0], $0xffff  }
0x88: {  	s31 =	simm.s32 $0x3;
	v29 =	vor.u32 v5, v29;
	v27 =	vmul.f32 $1.442695020e+00, v27  }
0x89: {  	v23 =	vsel vm1, s20, v23;
	v30 =	vmov s31  }
0x8a: {  	vm1 =	vgt.f32 v25, v26;
	v25 =	vand.u32 $0x7F, v30;
	(erf) = vpow2.f32 v27  }
0x8b: {  	v30 =	vbroadcast v25, $0x0  }
0x8c: {  	v28 =	vsub.f32 v28, v24  }
0x8d: {  	v25 =	vld.idx.msk [tilespmem:v29+s3+$0x0], $0xffff;
	v27 =	vor.u32 v5, v30  }
0x8e: {  	v26 =	vimm.f32 $0.0e+00;
	v23 =	vsel vm1, s19, v23;
	s19 =	simm.s32 $0x4;
	v28 =	vmul.f32 $1.442695020e+00, v28  }
.LBB2_4:
0x8f: {  	v29 =	vmov s19;
	p1 =	sne.s32 s19, $0x5B;
	s19 =	sadd.s32 $0x1, s19  }
.Ltmp1:
0x90: {  	v29 =	vand.u32 $0x7F, v29;
	(erf) = vpow2.f32 v28;
	(pc) =	sbr.rel @p1 .LBB2_4-.Ltmp1, $4  }
0x91: {  	v28 =	vbroadcast v29, $0x0  }
0x92: {  	v29 =	vsub.f32 v25, v24;
	v25 =	vld.idx.msk [tilespmem:v27+s3+$0x0], $0xffff  }
0x93: {  	v27 =	vor.u32 v5, v28;
	v30 =	vpop (erf)  }
0x94: {  	v28 =	vmul.f32 $1.442695020e+00, v29;
	v26 =	vadd.f32 v30, v26  }
0x95: {  	_ =	sdelay $0x3  }
0x96: {  	v27 =	vld.idx.msk [tilespmem:v27+s3+$0x0], $0xffff;
	_ =	sdelay $0x2  }
0x97: {  	v25 =	vsub.f32 v25, v24;
	_ =	sdelay $0x1  }
0x98: {  	v29 =	vld.idx.msk [tilespmem:v6+s15+$0x0], $0xffff;
	(erf) = vpow2.f32 v28;
	v25 =	vmul.f32 $1.442695020e+00, v25;
	v27 =	vsub.f32 v27, v24;
	_ =	sdelay $0x1  }
0x99: {  	(erf) = vpow2.f32 v25;
	v25 =	vmul.f32 $1.442695020e+00, v27  }
0x9a: {  	s20 =	simm.s32 $0x0  }
0x9b: {  	v27 =	vor.u32 s20, v8;
	(erf) = vpow2.f32 v25  }
0x9c: {  	v25 =	vtrunc.f32 v29  }
0x9d: {  	s22 =	simm.s32 $0x1;
	v25 =	vcvt.f32.s32 v25  }
0x9e: {  	v32 =	vor.u32 s22, v8;
	v28 =	vpop (erf)  }
0x9f: {  	v26 =	vadd.f32 v28, v26;
	v29 =	vadd.s32 v5, v25  }
0xa0: {  	v30 =	vpop (erf);
	v28 =	vld.idx.msk [tilespmem:v27+s20+$0x0], $0xffff  }
0xa1: {  	v26 =	vadd.f32 v30, v26  }
0xa2: {  	v27 =	vpop (erf)  }
0xa3: {  	v32 =	vld.idx.msk [tilespmem:v32+s20+$0x0], $0xffff;
	v31 =	vadd.f32 v27, v26  }
0xa4: {  	v30 =	vimm.f32 $-Inf;
	v27 =	vld.idx.msk [tilespmem:v29+s20+$0x0], $0xffff;
	v29 =	vpop (erf)  }
0xa5: {  	s23 =	simm.s32 $0x2;
	s21 =	simm.s32 $0x0;
	s19 =	simm.s32 $0x1;
	v26 =	vld.idx.msk [tilespmem:v7+s20+$0x0], $0xffff;
	vm1 =	vgt.f32 v28, v30;
	v29 =	vadd.f32 v29, v31;
	v31 =	vimm.s32 $0x5C  }
.LBB2_6:
0xa6: {  	p1 =	sne.s32 s23, $0x5B  }
0xa7: {  	v33 =	vor.u32 s23, v8;
	v31 =	vsel vm1, s21, v31;
	s21 =	smov.u32 s19;
	s19 =	smov.u32 s23;
	s23 =	sadd.s32 $0x1, s23  }
.Ltmp2:
0xa8: {  	(pc) =	sbr.rel @p1 .LBB2_6-.Ltmp2, $3  }
0xa9: {  	_ =	sdelay $0x1  }
0xaa: {  	v30 =	vmax.f32 v30, v28  }
0xab: {  	vm1 =	vgt.f32 v32, v30;
	v28 =	vmov v32;
	v32 =	vld.idx.msk [tilespmem:v33+s20+$0x0], $0xffff  }
0xac: {  	v33 =	vmov s20  }
0xad: {  	v33 =	vand.u32 $0x7F, v33  }
0xae: {  	v33 =	vbroadcast v33, $0x0;
	_ =	sdelay $0x1  }
0xaf: {  	v33 =	vor.u32 v8, v33;
	_ =	sdelay $0x1  }
0xb0: {  	v34 =	vmov s22  }
0xb1: {  	v34 =	vand.u32 $0x7F, v34  }
0xb2: {  	v34 =	vbroadcast v34, $0x0  }
0xb3: {  	v33 =	vld.idx.msk [tilespmem:v33+s3+$0x0], $0xffff  }
0xb4: {  	v34 =	vor.u32 v8, v34  }
0xb5: {  	s30 =	simm.s32 $0x2  }
0xb6: {  	v28 =	vmax.f32 v30, v28;
	v35 =	vmov s30  }
0xb7: {  	v35 =	vand.u32 $0x7F, v35;
	v30 =	vmax.f32 v28, v32  }
0xb8: {  	v35 =	vbroadcast v35, $0x0;
	v33 =	vsub.f32 v33, v30  }
0xb9: {  	v34 =	vld.idx.msk [tilespmem:v34+s3+$0x0], $0xffff  }
0xba: {  	s31 =	simm.s32 $0x3;
	v35 =	vor.u32 v8, v35;
	v33 =	vmul.f32 $1.442695020e+00, v33  }
0xbb: {  	v31 =	vsel vm1, s21, v31;
	v36 =	vmov s31  }
0xbc: {  	vm1 =	vgt.f32 v32, v28;
	v28 =	vand.u32 $0x7F, v36;
	(erf) = vpow2.f32 v33  }
0xbd: {  	v36 =	vbroadcast v28, $0x0  }
0xbe: {  	v34 =	vsub.f32 v34, v30  }
0xbf: {  	v28 =	vsel vm1, s19, v31;
	v31 =	vld.idx.msk [tilespmem:v35+s3+$0x0], $0xffff;
	v33 =	vor.u32 v8, v36  }
0xc0: {  	v32 =	vimm.f32 $0.0e+00;
	s19 =	simm.s32 $0x4;
	v34 =	vmul.f32 $1.442695020e+00, v34  }
.LBB2_8:
0xc1: {  	v35 =	vmov s19;
	p1 =	sne.s32 s19, $0x5B;
	s19 =	sadd.s32 $0x1, s19  }
.Ltmp3:
0xc2: {  	v35 =	vand.u32 $0x7F, v35;
	(erf) = vpow2.f32 v34;
	(pc) =	sbr.rel @p1 .LBB2_8-.Ltmp3, $4  }
0xc3: {  	v34 =	vbroadcast v35, $0x0  }
0xc4: {  	v35 =	vsub.f32 v31, v30;
	v31 =	vld.idx.msk [tilespmem:v33+s3+$0x0], $0xffff  }
0xc5: {  	v33 =	vor.u32 v8, v34;
	v36 =	vpop (erf)  }
0xc6: {  	v34 =	vmul.f32 $1.442695020e+00, v35;
	v32 =	vadd.f32 v36, v32  }
0xc7: {  	_ =	sdelay $0x3  }
0xc8: {  	v33 =	vld.idx.msk [tilespmem:v33+s3+$0x0], $0xffff;
	_ =	sdelay $0x2  }
0xc9: {  	v31 =	vsub.f32 v31, v30;
	_ =	sdelay $0x1  }
0xca: {  	(erf) = vpow2.f32 v34;
	v31 =	vmul.f32 $1.442695020e+00, v31;
	v33 =	vsub.f32 v33, v30  }
0xcb: {  	v35 =	vld.idx.msk [tilespmem:v9+s15+$0x0], $0xffff  }
0xcc: {  	(erf) = vpow2.f32 v31;
	v31 =	vmul.f32 $1.442695020e+00, v33  }
0xcd: {  	s20 =	simm.s32 $0x0  }
0xce: {  	v59 =	vor.u32 s20, v2;
	(erf) = vpow2.f32 v31;
	_ =	sdelay $0x1  }
0xcf: {  	s22 =	simm.s32 $0x1;
	v31 =	vtrunc.f32 v35  }
0xd0: {  	v38 =	vor.u32 s22, v2;
	v60 =	vpop (erf);
	v31 =	vcvt.f32.s32 v31  }
0xd1: {  	v34 =	vadd.f32 v60, v32  }
0xd2: {  	v32 =	vld.idx.msk [tilespmem:v59+s20+$0x0], $0xffff;
	v36 =	vpop (erf);
	v61 =	vadd.s32 v8, v31  }
0xd3: {  	v62 =	vadd.f32 v36, v34  }
0xd4: {  	v63 =	vpop (erf)  }
0xd5: {  	v38 =	vld.idx.msk [tilespmem:v38+s20+$0x0], $0xffff;
	v36 =	vadd.f32 v63, v62  }
0xd6: {  	v35 =	vimm.f32 $-Inf;
	v34 =	vld.idx.msk [tilespmem:v10+s20+$0x0], $0xffff;
	v37 =	vpop (erf)  }
0xd7: {  	s23 =	simm.s32 $0x2;
	s21 =	simm.s32 $0x0;
	s19 =	simm.s32 $0x1;
	vm1 =	vgt.f32 v32, v35;
	v33 =	vld.idx.msk [tilespmem:v61+s20+$0x0], $0xffff;
	v36 =	vadd.f32 v37, v36;
	v37 =	vimm.s32 $0x5C  }
.LBB2_10:
0xd8: {  	p1 =	sne.s32 s23, $0x5B  }
0xd9: {  	v39 =	vor.u32 s23, v2;
	v37 =	vsel vm1, s21, v37;
	s21 =	smov.u32 s19;
	s19 =	smov.u32 s23;
	s23 =	sadd.s32 $0x1, s23  }
.Ltmp4:
0xda: {  	(pc) =	sbr.rel @p1 .LBB2_10-.Ltmp4, $3  }
0xdb: {  	_ =	sdelay $0x1  }
0xdc: {  	v35 =	vmax.f32 v35, v32  }
0xdd: {  	vm1 =	vgt.f32 v38, v35;
	v32 =	vmov v38;
	v38 =	vld.idx.msk [tilespmem:v39+s20+$0x0], $0xffff  }
0xde: {  	v39 =	vmov s20  }
0xdf: {  	v39 =	vand.u32 $0x7F, v39  }
0xe0: {  	v39 =	vbroadcast v39, $0x0;
	_ =	sdelay $0x1  }
0xe1: {  	v39 =	vor.u32 v2, v39;
	_ =	sdelay $0x1  }
0xe2: {  	v40 =	vmov s22  }
0xe3: {  	v40 =	vand.u32 $0x7F, v40  }
0xe4: {  	v40 =	vbroadcast v40, $0x0  }
0xe5: {  	v39 =	vld.idx.msk [tilespmem:v39+s3+$0x0], $0xffff  }
0xe6: {  	v40 =	vor.u32 v2, v40  }
0xe7: {  	s30 =	simm.s32 $0x2  }
0xe8: {  	v32 =	vmax.f32 v35, v32;
	v41 =	vmov s30  }
0xe9: {  	v41 =	vand.u32 $0x7F, v41;
	v35 =	vmax.f32 v32, v38  }
0xea: {  	v41 =	vbroadcast v41, $0x0;
	v39 =	vsub.f32 v39, v35  }
0xeb: {  	v40 =	vld.idx.msk [tilespmem:v40+s3+$0x0], $0xffff  }
0xec: {  	s31 =	simm.s32 $0x3;
	v41 =	vor.u32 v2, v41;
	v62 =	vmul.f32 $1.442695020e+00, v39  }
0xed: {  	v42 =	vmov s31  }
0xee: {  	v61 =	vand.u32 $0x7F, v42;
	(erf) = vpow2.f32 v62  }
0xef: {  	v63 =	vbroadcast v61, $0x0  }
0xf0: {  	v40 =	vsub.f32 v40, v35  }
0xf1: {  	v37 =	vsel vm1, s21, v37;
	vm1 =	vgt.f32 v38, v32;
	v38 =	vld.idx.msk [tilespmem:v41+s3+$0x0], $0xffff;
	v39 =	vor.u32 v2, v63  }
0xf2: {  	v32 =	vsel vm1, s19, v37;
	v37 =	vimm.f32 $0.0e+00;
	s19 =	simm.s32 $0x4;
	v40 =	vmul.f32 $1.442695020e+00, v40  }
.LBB2_12:
0xf3: {  	v41 =	vmov s19;
	p1 =	sne.s32 s19, $0x5B;
	s19 =	sadd.s32 $0x1, s19  }
.Ltmp5:
0xf4: {  	v41 =	vand.u32 $0x7F, v41;
	(erf) = vpow2.f32 v40;
	(pc) =	sbr.rel @p1 .LBB2_12-.Ltmp5, $4  }
0xf5: {  	v40 =	vbroadcast v41, $0x0  }
0xf6: {  	v41 =	vsub.f32 v38, v35;
	v38 =	vld.idx.msk [tilespmem:v39+s3+$0x0], $0xffff  }
0xf7: {  	v39 =	vor.u32 v2, v40;
	v42 =	vpop (erf)  }
0xf8: {  	v40 =	vmul.f32 $1.442695020e+00, v41;
	v37 =	vadd.f32 v42, v37  }
0xf9: {  	_ =	sdelay $0x3  }
0xfa: {  	v39 =	vld.idx.msk [tilespmem:v39+s3+$0x0], $0xffff;
	_ =	sdelay $0x2  }
0xfb: {  	v38 =	vsub.f32 v38, v35;
	_ =	sdelay $0x1  }
0xfc: {  	(erf) = vpow2.f32 v40;
	v38 =	vmul.f32 $1.442695020e+00, v38;
	v39 =	vsub.f32 v39, v35;
	_ =	sdelay $0x1  }
0xfd: {  	(erf) = vpow2.f32 v38;
	v47 =	vmul.f32 $1.442695020e+00, v39  }
0xfe: {  	v48 =	vand.u32 $0x7FFFFF, v29  }
0xff: {  	v49 =	vor.u32 $0x3F800000, v48;
	(erf) = vpow2.f32 v47  }
0x100: {  	v38 =	vadd.f32 $-1.000000000e+00, v49;
	_ =	sdelay $0x1  }
0x101: {  	v41 =	vand.u32 $0x7FFFFF, v36;
	v50 =	vpop (erf);
	v51 =	vmul.f32 $1.459864060e-02, v38  }
0x102: {  	v53 =	vor.u32 $0x3F800000, v41;
	v37 =	vadd.f32 v50, v37  }
0x103: {  	v39 =	vadd.f32 $-1.000000000e+00, v53;
	v52 =	vpop (erf);
	v40 =	vadd.f32 $-7.592081280e-02, v51  }
0x104: {  	v37 =	vadd.f32 v52, v37  }
0x105: {  	v42 =	vmul.f32 $1.459864060e-02, v39;
	v40 =	vmul.f32 v40, v38;
	v54 =	vpop (erf)  }
0x106: {  	v37 =	vadd.f32 v54, v37  }
0x107: {  	v56 =	vadd.f32 $-7.592081280e-02, v42;
	v40 =	vadd.f32 $1.886522770e-01, v40;
	v55 =	vpop (erf)  }
0x108: {  	v37 =	vadd.f32 v55, v37  }
0x109: {  	v41 =	vmul.f32 v56, v39;
	v40 =	vmul.f32 v40, v38  }
0x10a: {  	v57 =	vand.u32 $0x7FFFFF, v37  }
0x10b: {  	v41 =	vadd.f32 $1.886522770e-01, v41;
	v40 =	vadd.f32 $-3.214829560e-01, v40;
	v42 =	vor.u32 $0x3F800000, v57  }
0x10c: {  	v42 =	vadd.f32 $-1.000000000e+00, v42  }
0x10d: {  	v41 =	vmul.f32 v41, v39;
	v40 =	vmul.f32 v40, v38  }
0x10e: {  	v43 =	vmul.f32 $1.459864060e-02, v42  }
0x10f: {  	v41 =	vadd.f32 $-3.214829560e-01, v41;
	v40 =	vadd.f32 $4.717215300e-01, v40  }
0x110: {  	v43 =	vadd.f32 $-7.592081280e-02, v43  }
0x111: {  	v41 =	vmul.f32 v41, v39;
	v40 =	vmul.f32 v40, v38  }
0x112: {  	v43 =	vmul.f32 v43, v42  }
0x113: {  	v41 =	vadd.f32 $4.717215300e-01, v41;
	v40 =	vadd.f32 $-7.202025650e-01, v40  }
0x114: {  	v43 =	vadd.f32 $1.886522770e-01, v43  }
0x115: {  	v41 =	vmul.f32 v41, v39;
	v40 =	vmul.f32 v40, v38  }
0x116: {  	v43 =	vmul.f32 v43, v42  }
0x117: {  	v58 =	vadd.f32 $-7.202025650e-01, v41;
	v40 =	vadd.f32 $1.442633630e+00, v40  }
0x118: {  	v43 =	vadd.f32 $-3.214829560e-01, v43  }
0x119: {  	v61 =	vshra.s32 v29, $0x17;
	v38 =	vmul.f32 v40, v38;
	v40 =	vmul.f32 v58, v39  }
0x11a: {  	v29 =	vadd.s32 $0xFFFFFF81, v61;
	v59 =	vmul.f32 v43, v42  }
0x11b: {  	v44 =	vld.idx.msk [tilespmem:v3+s15+$0x0], $0xffff;
	v29 =	vcvt.s32.f32 v29;
	v38 =	vadd.f32 $8.121172070e-07, v38;
	v40 =	vadd.f32 $1.442633630e+00, v40  }
0x11c: {  	v53 =	vld.idx.msk [tilespmem:v13+s12+$0x0], $0xffff;
	v41 =	vadd.f32 $4.717215300e-01, v59  }
0x11d: {  	v63 =	vshra.s32 v36, $0x17;
	v54 =	vld.idx.msk [tilespmem:v13+s15+$0x0], $0xffff;
	v29 =	vadd.f32 v29, v38;
	v45 =	vmul.f32 v40, v39  }
0x11e: {  	v36 =	vadd.s32 $0xFFFFFF81, v63;
	v41 =	vmul.f32 v41, v42  }
0x11f: {  	v36 =	vcvt.s32.f32 v36;
	v29 =	vmul.f32 $6.931471820e-01, v29;
	v38 =	vadd.f32 $8.121172070e-07, v45  }
0x120: {  	vm1 =	veq.s32 v25, $0x5B;
	v60 =	vtrunc.f32 v44;
	v46 =	vadd.f32 $-7.202025650e-01, v41  }
0x121: {  	v61 =	vld.idx.msk [tilespmem:v16+s12+$0x0], $0xffff;
	v43 =	vcvt.f32.s32 v60;
	v24 =	vadd.f32 v29, v24;
	v47 =	vadd.f32 v36, v38  }
0x122: {  	v63 =	vld.idx.msk [tilespmem:v16+s15+$0x0], $0xffff;
	v51 =	vshra.s32 v37, $0x17;
	v60 =	vsub.f32 v53, v54;
	v39 =	vmul.f32 v46, v42  }
0x123: {  	v50 =	vld.idx.msk [tilespmem:v12+s15+$0x0], $0xffff;
	v62 =	vadd.s32 v2, v43;
	v27 =	vsub.f32 v24, v27;
	v29 =	vmul.f32 $6.931471820e-01, v47  }
0x124: {  	v49 =	vld.idx.msk [tilespmem:v12+s12+$0x0], $0xffff;
	v24 =	vsub.f32 v24, v26;
	v41 =	vsel vm1, $0x3DCCCCCD, v11;
	v48 =	vadd.f32 $1.442633630e+00, v39  }
0x125: {  	v56 =	vld.idx.msk [tilespmem:v14+s15+$0x0], $0xffff;
	v26 =	vadd.s32 $0xFFFFFF81, v51;
	vm1 =	veq.s32 v31, $0x5B;
	v27 =	vmul.f32 v41, v27  }
0x126: {  	v55 =	vld.idx.msk [tilespmem:v14+s12+$0x0], $0xffff;
	v29 =	vadd.f32 v29, v30;
	v24 =	vmul.f32 $1.000000010e-01, v24;
	v52 =	vmul.f32 v48, v42  }
0x127: {  	v57 =	vsel vm1, $0x3DCCCCCD, v11;
	vm1 =	veq.s32 v23, v25;
	v25 =	vsub.f32 v61, v63  }
0x128: {  	v58 =	vld.idx.msk [tilespmem:v15+s12+$0x0], $0xffff;
	v26 =	vcvt.s32.f32 v26;
	v33 =	vsub.f32 v29, v33;
	v37 =	vadd.f32 $8.121172070e-07, v52  }
0x129: {  	v59 =	vld.idx.msk [tilespmem:v15+s15+$0x0], $0xffff;
	v29 =	vsub.f32 v29, v34;
	v24 =	vsub.f32 v27, v24  }
0x12a: {  	v36 =	vld.idx.msk [tilespmem:v4+s3+$0x0], $0xffff;
	v39 =	vsub.f32 v49, v50;
	v26 =	vadd.f32 v26, v37  }
0x12b: {  	v40 =	vld.idx.msk [tilespmem:v62+s3+$0x0], $0xffff;
	v62 =	vsel vm1, $0x3F800000, v0;
	v34 =	vsub.f32 v55, v56;
	v23 =	vadd.f32 $0.0e+00, v24  }
0x12c: {  	v47 =	vld.idx.msk [tilespmem:v18+s15+$0x0], $0xffff;
	v24 =	vand.u32 $0x7FFFFFFF, v60;
	v45 =	vand.u32 $0x7FFFFFFF, v39;
	v26 =	vmul.f32 $6.931471820e-01, v26  }
0x12d: {  	v46 =	vld.idx.msk [tilespmem:v17+s12+$0x0], $0xffff;
	vm1 =	veq.s32 v43, $0x5B;
	v25 =	vand.u32 $0x7FFFFFFF, v25;
	v24 =	vadd.f32 v24, v45  }
0x12e: {  	v51 =	vld.idx.msk [tilespmem:v17+s15+$0x0], $0xffff;
	v34 =	vand.u32 $0x7FFFFFFF, v34;
	v37 =	vsub.f32 v58, v59;
	v26 =	vadd.f32 v26, v35  }
0x12f: {  	v49 =	vld.idx.msk [tilespmem:v19+s12+$0x0], $0xffff;
	v33 =	vmul.f32 v57, v33;
	v29 =	vmul.f32 $1.000000010e-01, v29;
	v24 =	vadd.f32 v34, v24  }
0x130: {  	v53 =	vld.idx.msk [tilespmem:v20+s12+$0x0], $0xffff;
	v52 =	vand.u32 $0x7FFFFFFF, v37;
	v50 =	vsub.f32 v26, v40;
	v26 =	vsub.f32 v26, v36  }
0x131: {  	v54 =	vld.idx.msk [tilespmem:v19+s15+$0x0], $0xffff;
	v48 =	vsel vm1, $0x3DCCCCCD, v11;
	vm1 =	veq.s32 v28, v31;
	v24 =	vadd.f32 v52, v24  }
0x132: {  	v56 =	vld.idx.msk [tilespmem:v21+s12+$0x0], $0xffff;
	v55 =	vsub.f32 v46, v47;
	v28 =	vmul.f32 v48, v50;
	v26 =	vmul.f32 $-1.000000010e-01, v26  }
0x133: {  	v29 =	vsub.f32 v33, v29;
	v58 =	vld.idx.msk [tilespmem:v20+s15+$0x0], $0xffff;
	v24 =	vadd.f32 v25, v24  }
0x134: {  	v61 =	vld.idx.msk [tilespmem:v21+s15+$0x0], $0xffff;
	v31 =	vsub.f32 v49, v51;
	v59 =	vand.u32 $0x7FFFFFFF, v55;
	v26 =	vadd.f32 v26, v28  }
0x135: {  	v60 =	vld.idx.msk [tilespmem:v22+s12+$0x0], $0xffff;
	v23 =	vadd.f32 v29, v23;
	v24 =	vadd.f32 v59, v24  }
0x136: {  	v33 =	vld @!p0 [tilespmem:$0x4400];
	v29 =	vsub.f32 v53, v54;
	v31 =	vand.u32 $0x7FFFFFFF, v31;
	v26 =	vnsel vm0, $0x0, v26  }
0x137: {  	v24 =	vadd.f32 v31, v24;
	v23 =	vadd.f32 v26, v23;
	v26 =	vld @!p0 [tilespmem:$0x4410]  }
0x138: {  	v29 =	vand.u32 $0x7FFFFFFF, v29;
	v25 =	vsub.f32 v56, v58  }
0x139: {  	v24 =	vadd.f32 v29, v24;
	v29 =	vld @!p0 [tilespmem:$0x4420]  }
0x13a: {  	v25 =	vand.u32 $0x7FFFFFFF, v25  }
0x13b: {  	v28 =	vsub.f32 v60, v61;
	v24 =	vadd.f32 v25, v24;
	v25 =	vld @!p0 [tilespmem:$0x4430]  }
0x13c: {  	v27 =	vadd.f32 v57, v41;
	[tilespmem:$0x4480] =	vst v23;
	v23 =	vcvt.s32.f32 @!p0 v33;
	v26 =	vcvt.s32.f32 @!p0 v26  }
0x13d: {  	v57 =	vsel vm1, $0x3F800000, v0;
	vm1 =	veq.s32 v32, v43;
	[tilespmem:$0x4680] =	vst v0;
	v28 =	vand.u32 $0x7FFFFFFF, v28  }
0x13e: {  	[tilespmem:$0x4700] =	vst v0;
	v24 =	vadd.f32 v28, v24;
	v23 =	vadd.f32 @!p0 v26, v23;
	v26 =	vcvt.s32.f32 @!p0 v29  }
0x13f: {  	v30 =	vadd.f32 v57, v62;
	v62 =	vnsel vm0, $0x0, v48;
	v63 =	vnsel vm1, $0x0, v1;
	[tilespmem:$0x4780] =	vst v0  }
0x140: {  	v27 =	vadd.f32 v62, v27;
	[tilespmem:$0x4600] =	vst v24;
	v24 =	vcvt.s32.f32 @!p0 v25;
	v23 =	vadd.f32 @!p0 v26, v23  }
0x141: {  	v30 =	vadd.f32 v63, v30;
	[tilespmem:$0x4800] =	vst v0  }
0x142: {  	s18 =	sadd.s32 $0x1, s18;
	[tilespmem:$0x4500] =	vst v27;
	v23 =	vadd.f32 @!p0 v24, v23  }
0x143: {  	p1 =	sne.s32 s18, s10;
	[tilespmem:$0x4580] =	vst v30  }
.Ltmp6:
0x144: {  	[tilespmem:$0x4680] =	vst @!p0 v23;
	(pc) =	sbr.rel @p1 .LBB2_1-.Ltmp6, $4  }
0x145: {  	[hbm4b:s9+s3] =	stream.linear.scatter [tilespmem:s17], [sflag:$0x1], $0x400, $0x38;
	[tilespmem:$0x4880] =	vst v63  }
0x146: {  	_ =	swait.ge [sflag:s11], $0x400  }
0x147: {  	[sflag:s11] =	ssyncset.done $0x0  }
0x148: {  	[sflag:s11] =	ssyncadd.s32 $0xFFFFFC00  }
0x149: {  	_ =	sfence.sel $0x180000  }
0x14a: {  	[bflag:$0x0] =	sbarrier.arrive $0xFFFF  }
0x14b: {  	p0 =	sne.s32 s0, $0x0;
	_ =	strace $0x90000047  }
0x14c: {  	s0 =	sadd.s32 @!p0 $0x100000, s1;
	[bflag:$0x2] =	sbarrier.arrive $0xFFFF  }
0x14d: {  	[sflag:s0] =	ssyncadd.tile.s32 @!p0 $0x1;
	_ =	shalt  }
.Lfunc_end2:
_tile_overlayer_lowered:
.L_overlay_start_2:
0x14e: {  	(tag) =	ssettag $0x2  }
0x14f: {  	s0 =	rddreg [dreg:$0x0];
	s2 =	stileid.u32  }
0x150: {  	s1 =	rddreg [dreg:$0x1];
	p0 =	sne.s32 s2, $0x0  }
0x151: {  	s3 =	rddreg [dreg:$0x2];
	[bflag:$0x3] =	sbarrier.arrive $0xFFFF;
	s2 =	simm.s32 @!p0 $0x1C01  }
0x152: {  	[timem:s3], [sflag:s2] =	dma.local @!p0 [hbm:s0], s1  }
0x153: {  	s0 =	simm.s32 @!p0 $0x1  }
0x154: {  	_ =	swait.ge @!p0 [sflag:s0], s1  }
0x155: {  	s1 =	ssub.s32 @!p0 $0x0, s1;
	[sflag:s0] =	ssyncset.done @!p0 $0x0  }
0x156: {  	[sflag:s0] =	ssyncadd.s32 @!p0 s1  }
0x157: {  	[bflag:$0x3] =	sbarrier.arrive $0xFFFF  }
0x158: {  	_ =	shalt  }

</sc_bundles>
